<compile_context>
chip_gen: v7x
topology: tpu7x:2x2x1
jax: 0.10.2.dev20260603
libtpu: 0.0.44.dev20260713+nightly
codegen_flags: <defaults>
</compile_context>

<pallas_src>
import functools
from math import pi as PI

import jax
import jax.numpy as jnp
from jax import lax
from jax.experimental import pallas as pl
from jax.experimental.pallas import tpu as pltpu
from jax.experimental.pallas import tpu_sc as plsc

_N_NODES = 10000
_N_EDGES = 320000
_HIDDEN = 128
_NGAUSS = 16
_CUTOFF = 10.0
_LOG2 = 0.6931471805599453

_NC = 2
_NS = 16
_NW = _NC * _NS
_K = 128
_NCHUNK = _N_EDGES // _K
_NPAD = 10240
_RPT = _NPAD // _NS


def _ssp(v):
    return jnp.maximum(v, 0.0) + jnp.log1p(jnp.exp(-jnp.abs(v))) - _LOG2



def _filter_body(ea_t, ew, w0, b0, w2, b2, out):
    ea = ea_t[...].T
    h = jnp.dot(ea, w0[...], preferred_element_type=jnp.float32) + b0[...]
    h = _ssp(h)
    w = jnp.dot(h, w2[...], preferred_element_type=jnp.float32) + b2[...]
    t2 = jnp.square(ew[...] * (PI / _CUTOFF))
    cosv = 1.0 + t2 * (-0.5 + t2 * (1.0 / 24.0 + t2 * (-1.0 / 720.0 + t2 * (1.0 / 40320.0))))
    c = 0.5 * (cosv + 1.0)
    out[...] = w * c.T


_BE = 6400


def _filter_call(ea_t, ew_row, w0, b0, w2, b2):
    return pl.pallas_call(
        _filter_body,
        grid=(_N_EDGES // _BE,),
        in_specs=[
            pl.BlockSpec((_NGAUSS, _BE), lambda i: (0, i)),
            pl.BlockSpec((1, _BE), lambda i: (0, i)),
            pl.BlockSpec((_NGAUSS, _HIDDEN), lambda i: (0, 0)),
            pl.BlockSpec((1, _HIDDEN), lambda i: (0, 0)),
            pl.BlockSpec((_HIDDEN, _HIDDEN), lambda i: (0, 0)),
            pl.BlockSpec((1, _HIDDEN), lambda i: (0, 0)),
        ],
        out_specs=pl.BlockSpec((_BE, _HIDDEN), lambda i: (i, 0)),
        out_shape=jax.ShapeDtypeStruct((_N_EDGES, _HIDDEN), jnp.float32),
    )(ea_t, ew_row, w0, b0, w2, b2)


def _mm_body(x, w, o):
    o[...] = jnp.dot(x[...], w[...], preferred_element_type=jnp.float32)


def _h_call(x, w):
    return pl.pallas_call(
        _mm_body,
        out_shape=jax.ShapeDtypeStruct((_N_NODES, _HIDDEN), jnp.float32),
    )(x, w)


def _tail_body(a0, a1, w2t, b2, wt, b, o):
    a = a0[0] + a1[0]
    hh = jnp.dot(a, w2t[...], preferred_element_type=jnp.float32) + b2[...]
    hh = _ssp(hh)
    o[...] = jnp.dot(hh, wt[...], preferred_element_type=jnp.float32) + b[...]


def _tail_call(agg, w2t, b2, wt, b):
    return pl.pallas_call(
        _tail_body,
        grid=(1,),
        in_specs=[
            pl.BlockSpec((1, _N_NODES, _HIDDEN), lambda i: (0, 0, 0)),
            pl.BlockSpec((1, _N_NODES, _HIDDEN), lambda i: (1, 0, 0)),
            pl.BlockSpec((_HIDDEN, _HIDDEN), lambda i: (0, 0)),
            pl.BlockSpec((1, _HIDDEN), lambda i: (0, 0)),
            pl.BlockSpec((_HIDDEN, _HIDDEN), lambda i: (0, 0)),
            pl.BlockSpec((1, _HIDDEN), lambda i: (0, 0)),
        ],
        out_specs=pl.BlockSpec((_N_NODES, _HIDDEN), lambda i: (0, 0)),
        out_shape=jax.ShapeDtypeStruct((_N_NODES, _HIDDEN), jnp.float32),
    )(agg, agg, w2t, b2, wt, b)



_WCH = 80
_NCHP = _WCH * _NW
_EP = _NCHP * _K


def _sc_body(h_hbm, we_hbm, src_hbm, dst_hbm, zeros_hbm, out_hbm,
             src_v, dst_v, rows_v, we_v, agg_sh, sg):
    c = lax.axis_index("c")
    s = lax.axis_index("s")
    wid = s * _NC + c

    pltpu.sync_copy(zeros_hbm.at[pl.ds(s * _RPT, _RPT)],
                    agg_sh.at[pl.ds(s * _RPT, _RPT)])
    plsc.subcore_barrier()

    def chunk(i, carry):
        off = (wid + i * _NW) * _K
        pltpu.sync_copy(src_hbm.at[pl.ds(off, _K)], src_v)
        pltpu.sync_copy(dst_hbm.at[pl.ds(off, _K)], dst_v)
        gat = pltpu.async_copy(h_hbm.at[src_v], rows_v, sg)
        pltpu.sync_copy(we_hbm.at[pl.ds(off, _K)], we_v)
        gat.wait()

        def mul(k, cc):
            for jj in range(_HIDDEN // 16):
                sl = pl.ds(jj * 16, 16)
                rows_v[k, sl] = rows_v[k, sl] * we_v[k, sl]
            return cc

        lax.fori_loop(0, _K, mul, 0)
        pltpu.sync_copy(rows_v, agg_sh.at[dst_v], add=True)
        return carry

    nch = (_NCHUNK // _NW) + jnp.where(wid < (_NCHUNK % _NW), 1, 0)
    lax.fori_loop(0, nch, chunk, 0)
    plsc.subcore_barrier()

    pltpu.sync_copy(agg_sh.at[pl.ds(s * _RPT, _RPT)],
                    out_hbm.at[c, pl.ds(s * _RPT, _RPT)])


_sc_call = functools.partial(
    pl.kernel,
    out_type=jax.ShapeDtypeStruct((_NC, _NPAD, _HIDDEN), jnp.float32),
    mesh=plsc.VectorSubcoreMesh(core_axis_name="c", subcore_axis_name="s"),
    scratch_types=[
        pltpu.VMEM((_K,), jnp.int32),
        pltpu.VMEM((_K,), jnp.int32),
        pltpu.VMEM((_K, _HIDDEN), jnp.float32),
        pltpu.VMEM((_K, _HIDDEN), jnp.float32),
        pltpu.VMEM_SHARED((_NPAD, _HIDDEN), jnp.float32),
        pltpu.SemaphoreType.DMA,
    ],
)(_sc_body)



def kernel(x, edge_index, edge_weight, edge_attr, mlp0_W, mlp0_b, mlp2_W,
           mlp2_b, lin1_W, lin2_W, lin2_b, lin_W, lin_b):
    src = edge_index[0].astype(jnp.int32)
    dst = edge_index[1].astype(jnp.int32)
    we = _filter_call(edge_attr.T, edge_weight.reshape(1, _N_EDGES),
                      mlp0_W.T, mlp0_b.reshape(1, _HIDDEN),
                      mlp2_W.T, mlp2_b.reshape(1, _HIDDEN))
    h = _h_call(x, lin1_W.T)
    zeros = jnp.zeros((_NPAD, _HIDDEN), jnp.float32)
    agg = _sc_call(h, we, src, dst, zeros)
    return _tail_call(agg, lin2_W.T, lin2_b.reshape(1, _HIDDEN),
                      lin_W.T, lin_b.reshape(1, _HIDDEN))

# --- scband reference (transcript-rebuilt; emitter-appended) ---
"""Pipeline reference for scband-interaction-block-1855425871945 (READ-ONLY COPY).

The authoritative reference and input builder live on the scoring server;
editing this copy changes nothing except your own understanding.
"""

import jax, jax.numpy as jnp
import numpy as np
from math import pi as PI

N_NODES = 10000
N_EDGES = 320000
HIDDEN = 128
NUM_GAUSS = 16
NUM_FILTERS = 128
CUTOFF = 10.0


def _xavier(key, shape):
    fan_in, fan_out = shape[1], shape[0]
    bound = float(np.sqrt(6.0 / (fan_in + fan_out)))
    return jax.random.uniform(key, shape, jnp.float32, -bound, bound)


def setup_inputs(seed: int = 0) -> dict:
    key = jax.random.key(seed)
    ks = jax.random.split(key, 12)
    x = jax.random.normal(ks[0], (N_NODES, HIDDEN), jnp.float32)
    edge_index = jax.random.randint(ks[1], (2, N_EDGES), 0, N_NODES, jnp.int64)
    edge_weight = jax.random.uniform(ks[2], (N_EDGES,), jnp.float32)
    edge_attr = jax.random.normal(ks[3], (N_EDGES, NUM_GAUSS), jnp.float32)
    mlp0_W = _xavier(ks[4], (NUM_FILTERS, NUM_GAUSS))
    mlp0_b = jnp.zeros((NUM_FILTERS,), jnp.float32)
    mlp2_W = _xavier(ks[5], (NUM_FILTERS, NUM_FILTERS))
    mlp2_b = jnp.zeros((NUM_FILTERS,), jnp.float32)
    lin1_W = _xavier(ks[6], (NUM_FILTERS, HIDDEN))
    lin2_W = _xavier(ks[7], (HIDDEN, NUM_FILTERS))
    lin2_b = jnp.zeros((HIDDEN,), jnp.float32)
    lin_W = _xavier(ks[8], (HIDDEN, HIDDEN))
    lin_b = jnp.zeros((HIDDEN,), jnp.float32)
    return {"x": x, "edge_index": edge_index, "edge_weight": edge_weight,
            "edge_attr": edge_attr, "mlp0_W": mlp0_W, "mlp0_b": mlp0_b,
            "mlp2_W": mlp2_W, "mlp2_b": mlp2_b, "lin1_W": lin1_W,
            "lin2_W": lin2_W, "lin2_b": lin2_b, "lin_W": lin_W, "lin_b": lin_b}


def _ssp(v):
    return jax.nn.softplus(v) - jnp.log(2.0)


def reference(x, edge_index, edge_weight, edge_attr, mlp0_W, mlp0_b, mlp2_W,
              mlp2_b, lin1_W, lin2_W, lin2_b, lin_W, lin_b):
    src = edge_index[0]
    dst = edge_index[1]
    # filter-generating network (mlp)
    h_e = _ssp(edge_attr @ mlp0_W.T + mlp0_b)
    W_e = h_e @ mlp2_W.T + mlp2_b
    # cosine cutoff
    C = 0.5 * (jnp.cos(edge_weight * PI / CUTOFF) + 1.0)
    W_e = W_e * C[:, None]
    # CFConv
    h = x @ lin1_W.T  # no bias
    msg = h[src] * W_e
    agg = jax.ops.segment_sum(msg, dst, num_segments=N_NODES)
    h = agg @ lin2_W.T + lin2_b
    # InteractionBlock tail
    h = _ssp(h)
    out = h @ lin_W.T + lin_b
    return out

if __name__ == "__main__":
    import jax
    _d = setup_inputs()
    print(jax.jit(kernel)(*tuple(_d.values())))

</pallas_src>

<mosaic_0001>
#map = affine_map<(d0, d1) -> (0, 0)>
#map1 = affine_map<(d0, d1) -> (0)>
#map2 = affine_map<(d0, d1) -> (0, 0, 0)>
module attributes {stable_mosaic.version = 14 : i64} {
  func.func @_sc_body(%arg0: i32, %arg1: i32, %arg2: memref<10000x128xf32, #tpu.memory_space<hbm>>, %arg3: memref<320000x128xf32, #tpu.memory_space<hbm>>, %arg4: memref<320000xi32, #tpu.memory_space<hbm>>, %arg5: memref<320000xi32, #tpu.memory_space<hbm>>, %arg6: memref<10240x128xf32, #tpu.memory_space<hbm>>, %arg7: memref<2x10240x128xf32, #tpu.memory_space<hbm>>, %arg8: memref<128xi32, #tpu.memory_space<vmem>>, %arg9: memref<128xi32, #tpu.memory_space<vmem>>, %arg10: memref<128x128xf32, #tpu.memory_space<vmem>>, %arg11: memref<128x128xf32, #tpu.memory_space<vmem>>, %arg12: memref<10240x128xf32, #tpu.memory_space<vmem_shared>>, %arg13: memref<!tpu.dma_semaphore, #tpu.memory_space<semaphore_mem>>) attributes {dimension_semantics = [#tpu.dimension_semantics<core_parallel>, #tpu.dimension_semantics<subcore_parallel>], iteration_bounds = array<i64: 2, 16>, scalar_prefetch = 0 : i64, scratch_operands = 6 : i64, tpu.core_type = #tpu.core_type<sc_vector_subcore>, window_params = [{transform_indices = #map}, {transform_indices = #map}, {transform_indices = #map1}, {transform_indices = #map1}, {transform_indices = #map}, {transform_indices = #map2}]} {
    %mul3A = arith.constant 2 : i32
    %mul3A_0 = arith.muli %arg1, %mul3A : i32
    %add3A = arith.addi %mul3A_0, %arg0 : i32
    %mul3A_1 = arith.constant 640 : i32
    %mul3A_2 = arith.muli %arg1, %mul3A_1 : i32
    %mul3A_3 = arith.constant 640 : i32
    %mul3A_4 = arith.muli %arg1, %mul3A_3 : i32
    "tpu.region"() ({
      %run_scoped3A = tpu.sem_alloc : memref<!tpu.dma_semaphore, #tpu.memory_space<semaphore_mem>>
      %dma_start3A = arith.constant 0 : i32
      %dma_start3A_23 = tpu.memref_slice %arg12[%mul3A_4, %dma_start3A] : memref<10240x128xf32, #tpu.memory_space<vmem_shared>> -> memref<640x128xf32, #tpu.memory_space<vmem_shared>>
      %dma_start3A_24 = arith.constant 0 : i32
      %dma_start3A_25 = tpu.memref_slice %arg6[%mul3A_2, %dma_start3A_24] : memref<10240x128xf32, #tpu.memory_space<hbm>> -> memref<640x128xf32, #tpu.memory_space<hbm>>
      tpu.enqueue_dma source(%dma_start3A_25 : memref<640x128xf32, #tpu.memory_space<hbm>>) target(%dma_start3A_23 : memref<640x128xf32, #tpu.memory_space<vmem_shared>>) target_semaphore(%run_scoped3A : memref<!tpu.dma_semaphore, #tpu.memory_space<semaphore_mem>>)
      %dma_wait3A = arith.constant 0 : i32
      %dma_wait3A_26 = tpu.memref_slice %arg12[%mul3A_4, %dma_wait3A] : memref<10240x128xf32, #tpu.memory_space<vmem_shared>> -> memref<640x128xf32, #tpu.memory_space<vmem_shared>>
      %dma_wait3A_27 = arith.constant 0 : i32
      %dma_wait3A_28 = tpu.memref_slice %arg6[%mul3A_2, %dma_wait3A_27] : memref<10240x128xf32, #tpu.memory_space<hbm>> -> memref<640x128xf32, #tpu.memory_space<hbm>>
      tpu.wait_dma2 semaphore(%run_scoped3A : memref<!tpu.dma_semaphore, #tpu.memory_space<semaphore_mem>>) src(%dma_wait3A_28 : memref<640x128xf32, #tpu.memory_space<hbm>>) dst(%dma_wait3A_26 : memref<640x128xf32, #tpu.memory_space<vmem_shared>>)
      tpu.yield
    }) : () -> ()
    %barrier3A = arith.constant 0 : index
    tpu.barrier barrier_id(%barrier3A)
    %lt3A = arith.constant 4 : i32
    %lt3A_5 = arith.cmpi slt, %add3A, %lt3A : i32
    %jit3A = arith.constant 1 : i32
    %jit3A_6 = arith.constant 0 : i32
    %select_n3A = arith.select %lt3A_5, %jit3A, %jit3A_6 : i32
    %add3A_7 = arith.constant 78 : i32
    %add3A_8 = arith.addi %add3A_7, %select_n3A : i32
    %while3A = arith.constant 0 : i32
    %while3A_9 = arith.constant 0 : i32
    %while3A_10 = arith.subi %add3A_8, %while3A_9 : i32
    %while3A_11 = arith.addi %while3A_9, %while3A_10 : i32
    %while3A_12 = arith.constant 1 : i32
    %while3A_13 = arith.divsi %while3A_10, %while3A_12 : i32
    %while3A_14 = arith.muli %while3A_13, %while3A_12 : i32
    %while3A_15 = arith.addi %while3A_9, %while3A_14 : i32
    %while3A_16 = arith.constant 1 : i32
    scf.for %while3A_23 = %while3A_9 to %while3A_15 step %while3A_16  : i32 {
      %mul3A_24 = arith.constant 32 : i32
      %mul3A_25 = arith.muli %while3A_23, %mul3A_24 : i32
      %add3A_26 = arith.addi %add3A, %mul3A_25 : i32
      %mul3A_27 = arith.constant 128 : i32
      %mul3A_28 = arith.muli %add3A_26, %mul3A_27 : i32
      "tpu.region"() ({
        %run_scoped3A = tpu.sem_alloc : memref<!tpu.dma_semaphore, #tpu.memory_space<semaphore_mem>>
        %dma_start3A_38 = tpu.memref_slice %arg4[%mul3A_28] : memref<320000xi32, #tpu.memory_space<hbm>> -> memref<128xi32, #tpu.memory_space<hbm>>
        %dma_start3A_39 = tpu.memref_slice %arg4[%mul3A_28] : memref<320000xi32, #tpu.memory_space<hbm>> -> memref<128xi32, #tpu.memory_space<hbm>>
        tpu.enqueue_dma source(%dma_start3A_39 : memref<128xi32, #tpu.memory_space<hbm>>) target(%arg8 : memref<128xi32, #tpu.memory_space<vmem>>) target_semaphore(%run_scoped3A : memref<!tpu.dma_semaphore, #tpu.memory_space<semaphore_mem>>)
        %dma_wait3A_40 = tpu.memref_slice %arg4[%mul3A_28] : memref<320000xi32, #tpu.memory_space<hbm>> -> memref<128xi32, #tpu.memory_space<hbm>>
        %dma_wait3A_41 = tpu.memref_slice %arg4[%mul3A_28] : memref<320000xi32, #tpu.memory_space<hbm>> -> memref<128xi32, #tpu.memory_space<hbm>>
        tpu.wait_dma2 semaphore(%run_scoped3A : memref<!tpu.dma_semaphore, #tpu.memory_space<semaphore_mem>>) src(%dma_wait3A_41 : memref<128xi32, #tpu.memory_space<hbm>>) dst(%arg8 : memref<128xi32, #tpu.memory_space<vmem>>)
        tpu.yield
      }) : () -> ()
      "tpu.region"() ({
        %run_scoped3A = tpu.sem_alloc : memref<!tpu.dma_semaphore, #tpu.memory_space<semaphore_mem>>
        %dma_start3A_38 = tpu.memref_slice %arg5[%mul3A_28] : memref<320000xi32, #tpu.memory_space<hbm>> -> memref<128xi32, #tpu.memory_space<hbm>>
        %dma_start3A_39 = tpu.memref_slice %arg5[%mul3A_28] : memref<320000xi32, #tpu.memory_space<hbm>> -> memref<128xi32, #tpu.memory_space<hbm>>
        tpu.enqueue_dma source(%dma_start3A_39 : memref<128xi32, #tpu.memory_space<hbm>>) target(%arg9 : memref<128xi32, #tpu.memory_space<vmem>>) target_semaphore(%run_scoped3A : memref<!tpu.dma_semaphore, #tpu.memory_space<semaphore_mem>>)
        %dma_wait3A_40 = tpu.memref_slice %arg5[%mul3A_28] : memref<320000xi32, #tpu.memory_space<hbm>> -> memref<128xi32, #tpu.memory_space<hbm>>
        %dma_wait3A_41 = tpu.memref_slice %arg5[%mul3A_28] : memref<320000xi32, #tpu.memory_space<hbm>> -> memref<128xi32, #tpu.memory_space<hbm>>
        tpu.wait_dma2 semaphore(%run_scoped3A : memref<!tpu.dma_semaphore, #tpu.memory_space<semaphore_mem>>) src(%dma_wait3A_41 : memref<128xi32, #tpu.memory_space<hbm>>) dst(%arg9 : memref<128xi32, #tpu.memory_space<vmem>>)
        tpu.yield
      }) : () -> ()
      %dma_start3A = arith.constant 0 : i32
      %dma_start3A_29 = arith.constant 0 : i32
      %dma_start3A_30 = tpu.memref_slice %arg2[%dma_start3A, %dma_start3A_29] : memref<10000x128xf32, #tpu.memory_space<hbm>> -> memref<10000x128xf32, #tpu.memory_space<hbm>>
      tpu.enqueue_indirect_dma source(%dma_start3A_30 : memref<10000x128xf32, #tpu.memory_space<hbm>>) target(%arg10 : memref<128x128xf32, #tpu.memory_space<vmem>>) offsets(%arg8 : memref<128xi32, #tpu.memory_space<vmem>>) semaphore(%arg13 : memref<!tpu.dma_semaphore, #tpu.memory_space<semaphore_mem>>)
      "tpu.region"() ({
        %run_scoped3A = tpu.sem_alloc : memref<!tpu.dma_semaphore, #tpu.memory_space<semaphore_mem>>
        %dma_start3A_38 = arith.constant 0 : i32
        %dma_start3A_39 = tpu.memref_slice %arg3[%mul3A_28, %dma_start3A_38] : memref<320000x128xf32, #tpu.memory_space<hbm>> -> memref<128x128xf32, #tpu.memory_space<hbm>>
        %dma_start3A_40 = arith.constant 0 : i32
        %dma_start3A_41 = tpu.memref_slice %arg3[%mul3A_28, %dma_start3A_40] : memref<320000x128xf32, #tpu.memory_space<hbm>> -> memref<128x128xf32, #tpu.memory_space<hbm>>
        tpu.enqueue_dma source(%dma_start3A_41 : memref<128x128xf32, #tpu.memory_space<hbm>>) target(%arg11 : memref<128x128xf32, #tpu.memory_space<vmem>>) target_semaphore(%run_scoped3A : memref<!tpu.dma_semaphore, #tpu.memory_space<semaphore_mem>>)
        %dma_wait3A_42 = arith.constant 0 : i32
        %dma_wait3A_43 = tpu.memref_slice %arg3[%mul3A_28, %dma_wait3A_42] : memref<320000x128xf32, #tpu.memory_space<hbm>> -> memref<128x128xf32, #tpu.memory_space<hbm>>
        %dma_wait3A_44 = arith.constant 0 : i32
        %dma_wait3A_45 = tpu.memref_slice %arg3[%mul3A_28, %dma_wait3A_44] : memref<320000x128xf32, #tpu.memory_space<hbm>> -> memref<128x128xf32, #tpu.memory_space<hbm>>
        tpu.wait_dma2 semaphore(%run_scoped3A : memref<!tpu.dma_semaphore, #tpu.memory_space<semaphore_mem>>) src(%dma_wait3A_45 : memref<128x128xf32, #tpu.memory_space<hbm>>) dst(%arg11 : memref<128x128xf32, #tpu.memory_space<vmem>>)
        tpu.yield
      }) : () -> ()
      %dma_wait3A = arith.constant 0 : i32
      %dma_wait3A_31 = arith.constant 0 : i32
      %dma_wait3A_32 = tpu.memref_slice %arg2[%dma_wait3A, %dma_wait3A_31] : memref<10000x128xf32, #tpu.memory_space<hbm>> -> memref<10000x128xf32, #tpu.memory_space<hbm>>
      tpu.wait_indirect_dma semaphore(%arg13 : memref<!tpu.dma_semaphore, #tpu.memory_space<semaphore_mem>>) src(%dma_wait3A_32 : memref<10000x128xf32, #tpu.memory_space<hbm>>) dst(%arg10 : memref<128x128xf32, #tpu.memory_space<vmem>>)
      %scan3A = arith.constant 0 : i32
      %scan3A_33 = arith.constant 0 : i32
      %scan3A_34 = arith.constant 128 : i32
      %scan3A_35 = arith.addi %scan3A_33, %scan3A_34 : i32
      %scan3A_36 = arith.constant 1 : i32
      scf.for %scan3A_38 = %scan3A_33 to %scan3A_35 step %scan3A_36  : i32 {
        %get3A = arith.index_cast %scan3A_38 : i32 to index
        %get3A_39 = arith.constant 0 : index
        %get3A_40 = tpu.vector_load %arg10[%get3A, %get3A_39] {strides = array<i32>} : memref<128x128xf32, #tpu.memory_space<vmem>>, vector<1x16xf32>,
        %get3A_41 = vector.shape_cast %get3A_40 : vector<1x16xf32> to vector<16xf32>
        %get3A_42 = arith.index_cast %scan3A_38 : i32 to index
        %get3A_43 = arith.constant 0 : index
        %get3A_44 = tpu.vector_load %arg11[%get3A_42, %get3A_43] {strides = array<i32>} : memref<128x128xf32, #tpu.memory_space<vmem>>, vector<1x16xf32>,
        %get3A_45 = vector.shape_cast %get3A_44 : vector<1x16xf32> to vector<16xf32>
        %mul3A_46 = arith.mulf %get3A_41, %get3A_45 : vector<16xf32>
        %swap3A = arith.index_cast %scan3A_38 : i32 to index
        %swap3A_47 = arith.constant 0 : index
        %swap3A_48 = tpu.vector_load %arg10[%swap3A, %swap3A_47] {strides = array<i32>} : memref<128x128xf32, #tpu.memory_space<vmem>>, vector<1x16xf32>,
        %swap3A_49 = vector.shape_cast %swap3A_48 : vector<1x16xf32> to vector<16xf32>
        %swap3A_50 = vector.shape_cast %mul3A_46 : vector<16xf32> to vector<1x16xf32>
        tpu.vector_store %arg10[%swap3A, %swap3A_47], %swap3A_50 {strides = array<i32>} : memref<128x128xf32, #tpu.memory_space<vmem>>, vector<1x16xf32>,
        %get3A_51 = arith.index_cast %scan3A_38 : i32 to index
        %get3A_52 = arith.constant 16 : index
        %get3A_53 = tpu.vector_load %arg10[%get3A_51, %get3A_52] {strides = array<i32>} : memref<128x128xf32, #tpu.memory_space<vmem>>, vector<1x16xf32>,
        %get3A_54 = vector.shape_cast %get3A_53 : vector<1x16xf32> to vector<16xf32>
        %get3A_55 = arith.index_cast %scan3A_38 : i32 to index
        %get3A_56 = arith.constant 16 : index
        %get3A_57 = tpu.vector_load %arg11[%get3A_55, %get3A_56] {strides = array<i32>} : memref<128x128xf32, #tpu.memory_space<vmem>>, vector<1x16xf32>,
        %get3A_58 = vector.shape_cast %get3A_57 : vector<1x16xf32> to vector<16xf32>
        %mul3A_59 = arith.mulf %get3A_54, %get3A_58 : vector<16xf32>
        %swap3A_60 = arith.index_cast %scan3A_38 : i32 to index
        %swap3A_61 = arith.constant 16 : index
        %swap3A_62 = tpu.vector_load %arg10[%swap3A_60, %swap3A_61] {strides = array<i32>} : memref<128x128xf32, #tpu.memory_space<vmem>>, vector<1x16xf32>,
        %swap3A_63 = vector.shape_cast %swap3A_62 : vector<1x16xf32> to vector<16xf32>
        %swap3A_64 = vector.shape_cast %mul3A_59 : vector<16xf32> to vector<1x16xf32>
        tpu.vector_store %arg10[%swap3A_60, %swap3A_61], %swap3A_64 {strides = array<i32>} : memref<128x128xf32, #tpu.memory_space<vmem>>, vector<1x16xf32>,
        %get3A_65 = arith.index_cast %scan3A_38 : i32 to index
        %get3A_66 = arith.constant 32 : index
        %get3A_67 = tpu.vector_load %arg10[%get3A_65, %get3A_66] {strides = array<i32>} : memref<128x128xf32, #tpu.memory_space<vmem>>, vector<1x16xf32>,
        %get3A_68 = vector.shape_cast %get3A_67 : vector<1x16xf32> to vector<16xf32>
        %get3A_69 = arith.index_cast %scan3A_38 : i32 to index
        %get3A_70 = arith.constant 32 : index
        %get3A_71 = tpu.vector_load %arg11[%get3A_69, %get3A_70] {strides = array<i32>} : memref<128x128xf32, #tpu.memory_space<vmem>>, vector<1x16xf32>,
        %get3A_72 = vector.shape_cast %get3A_71 : vector<1x16xf32> to vector<16xf32>
        %mul3A_73 = arith.mulf %get3A_68, %get3A_72 : vector<16xf32>
        %swap3A_74 = arith.index_cast %scan3A_38 : i32 to index
        %swap3A_75 = arith.constant 32 : index
        %swap3A_76 = tpu.vector_load %arg10[%swap3A_74, %swap3A_75] {strides = array<i32>} : memref<128x128xf32, #tpu.memory_space<vmem>>, vector<1x16xf32>,
        %swap3A_77 = vector.shape_cast %swap3A_76 : vector<1x16xf32> to vector<16xf32>
        %swap3A_78 = vector.shape_cast %mul3A_73 : vector<16xf32> to vector<1x16xf32>
        tpu.vector_store %arg10[%swap3A_74, %swap3A_75], %swap3A_78 {strides = array<i32>} : memref<128x128xf32, #tpu.memory_space<vmem>>, vector<1x16xf32>,
        %get3A_79 = arith.index_cast %scan3A_38 : i32 to index
        %get3A_80 = arith.constant 48 : index
        %get3A_81 = tpu.vector_load %arg10[%get3A_79, %get3A_80] {strides = array<i32>} : memref<128x128xf32, #tpu.memory_space<vmem>>, vector<1x16xf32>,
        %get3A_82 = vector.shape_cast %get3A_81 : vector<1x16xf32> to vector<16xf32>
        %get3A_83 = arith.index_cast %scan3A_38 : i32 to index
        %get3A_84 = arith.constant 48 : index
        %get3A_85 = tpu.vector_load %arg11[%get3A_83, %get3A_84] {strides = array<i32>} : memref<128x128xf32, #tpu.memory_space<vmem>>, vector<1x16xf32>,
        %get3A_86 = vector.shape_cast %get3A_85 : vector<1x16xf32> to vector<16xf32>
        %mul3A_87 = arith.mulf %get3A_82, %get3A_86 : vector<16xf32>
        %swap3A_88 = arith.index_cast %scan3A_38 : i32 to index
        %swap3A_89 = arith.constant 48 : index
        %swap3A_90 = tpu.vector_load %arg10[%swap3A_88, %swap3A_89] {strides = array<i32>} : memref<128x128xf32, #tpu.memory_space<vmem>>, vector<1x16xf32>,
        %swap3A_91 = vector.shape_cast %swap3A_90 : vector<1x16xf32> to vector<16xf32>
        %swap3A_92 = vector.shape_cast %mul3A_87 : vector<16xf32> to vector<1x16xf32>
        tpu.vector_store %arg10[%swap3A_88, %swap3A_89], %swap3A_92 {strides = array<i32>} : memref<128x128xf32, #tpu.memory_space<vmem>>, vector<1x16xf32>,
        %get3A_93 = arith.index_cast %scan3A_38 : i32 to index
        %get3A_94 = arith.constant 64 : index
        %get3A_95 = tpu.vector_load %arg10[%get3A_93, %get3A_94] {strides = array<i32>} : memref<128x128xf32, #tpu.memory_space<vmem>>, vector<1x16xf32>,
        %get3A_96 = vector.shape_cast %get3A_95 : vector<1x16xf32> to vector<16xf32>
        %get3A_97 = arith.index_cast %scan3A_38 : i32 to index
        %get3A_98 = arith.constant 64 : index
        %get3A_99 = tpu.vector_load %arg11[%get3A_97, %get3A_98] {strides = array<i32>} : memref<128x128xf32, #tpu.memory_space<vmem>>, vector<1x16xf32>,
        %get3A_100 = vector.shape_cast %get3A_99 : vector<1x16xf32> to vector<16xf32>
        %mul3A_101 = arith.mulf %get3A_96, %get3A_100 : vector<16xf32>
        %swap3A_102 = arith.index_cast %scan3A_38 : i32 to index
        %swap3A_103 = arith.constant 64 : index
        %swap3A_104 = tpu.vector_load %arg10[%swap3A_102, %swap3A_103] {strides = array<i32>} : memref<128x128xf32, #tpu.memory_space<vmem>>, vector<1x16xf32>,
        %swap3A_105 = vector.shape_cast %swap3A_104 : vector<1x16xf32> to vector<16xf32>
        %swap3A_106 = vector.shape_cast %mul3A_101 : vector<16xf32> to vector<1x16xf32>
        tpu.vector_store %arg10[%swap3A_102, %swap3A_103], %swap3A_106 {strides = array<i32>} : memref<128x128xf32, #tpu.memory_space<vmem>>, vector<1x16xf32>,
        %get3A_107 = arith.index_cast %scan3A_38 : i32 to index
        %get3A_108 = arith.constant 80 : index
        %get3A_109 = tpu.vector_load %arg10[%get3A_107, %get3A_108] {strides = array<i32>} : memref<128x128xf32, #tpu.memory_space<vmem>>, vector<1x16xf32>,
        %get3A_110 = vector.shape_cast %get3A_109 : vector<1x16xf32> to vector<16xf32>
        %get3A_111 = arith.index_cast %scan3A_38 : i32 to index
        %get3A_112 = arith.constant 80 : index
        %get3A_113 = tpu.vector_load %arg11[%get3A_111, %get3A_112] {strides = array<i32>} : memref<128x128xf32, #tpu.memory_space<vmem>>, vector<1x16xf32>,
        %get3A_114 = vector.shape_cast %get3A_113 : vector<1x16xf32> to vector<16xf32>
        %mul3A_115 = arith.mulf %get3A_110, %get3A_114 : vector<16xf32>
        %swap3A_116 = arith.index_cast %scan3A_38 : i32 to index
        %swap3A_117 = arith.constant 80 : index
        %swap3A_118 = tpu.vector_load %arg10[%swap3A_116, %swap3A_117] {strides = array<i32>} : memref<128x128xf32, #tpu.memory_space<vmem>>, vector<1x16xf32>,
        %swap3A_119 = vector.shape_cast %swap3A_118 : vector<1x16xf32> to vector<16xf32>
        %swap3A_120 = vector.shape_cast %mul3A_115 : vector<16xf32> to vector<1x16xf32>
        tpu.vector_store %arg10[%swap3A_116, %swap3A_117], %swap3A_120 {strides = array<i32>} : memref<128x128xf32, #tpu.memory_space<vmem>>, vector<1x16xf32>,
        %get3A_121 = arith.index_cast %scan3A_38 : i32 to index
        %get3A_122 = arith.constant 96 : index
        %get3A_123 = tpu.vector_load %arg10[%get3A_121, %get3A_122] {strides = array<i32>} : memref<128x128xf32, #tpu.memory_space<vmem>>, vector<1x16xf32>,
        %get3A_124 = vector.shape_cast %get3A_123 : vector<1x16xf32> to vector<16xf32>
        %get3A_125 = arith.index_cast %scan3A_38 : i32 to index
        %get3A_126 = arith.constant 96 : index
        %get3A_127 = tpu.vector_load %arg11[%get3A_125, %get3A_126] {strides = array<i32>} : memref<128x128xf32, #tpu.memory_space<vmem>>, vector<1x16xf32>,
        %get3A_128 = vector.shape_cast %get3A_127 : vector<1x16xf32> to vector<16xf32>
        %mul3A_129 = arith.mulf %get3A_124, %get3A_128 : vector<16xf32>
        %swap3A_130 = arith.index_cast %scan3A_38 : i32 to index
        %swap3A_131 = arith.constant 96 : index
        %swap3A_132 = tpu.vector_load %arg10[%swap3A_130, %swap3A_131] {strides = array<i32>} : memref<128x128xf32, #tpu.memory_space<vmem>>, vector<1x16xf32>,
        %swap3A_133 = vector.shape_cast %swap3A_132 : vector<1x16xf32> to vector<16xf32>
        %swap3A_134 = vector.shape_cast %mul3A_129 : vector<16xf32> to vector<1x16xf32>
        tpu.vector_store %arg10[%swap3A_130, %swap3A_131], %swap3A_134 {strides = array<i32>} : memref<128x128xf32, #tpu.memory_space<vmem>>, vector<1x16xf32>,
        %get3A_135 = arith.index_cast %scan3A_38 : i32 to index
        %get3A_136 = arith.constant 112 : index
        %get3A_137 = tpu.vector_load %arg10[%get3A_135, %get3A_136] {strides = array<i32>} : memref<128x128xf32, #tpu.memory_space<vmem>>, vector<1x16xf32>,
        %get3A_138 = vector.shape_cast %get3A_137 : vector<1x16xf32> to vector<16xf32>
        %get3A_139 = arith.index_cast %scan3A_38 : i32 to index
        %get3A_140 = arith.constant 112 : index
        %get3A_141 = tpu.vector_load %arg11[%get3A_139, %get3A_140] {strides = array<i32>} : memref<128x128xf32, #tpu.memory_space<vmem>>, vector<1x16xf32>,
        %get3A_142 = vector.shape_cast %get3A_141 : vector<1x16xf32> to vector<16xf32>
        %mul3A_143 = arith.mulf %get3A_138, %get3A_142 : vector<16xf32>
        %swap3A_144 = arith.index_cast %scan3A_38 : i32 to index
        %swap3A_145 = arith.constant 112 : index
        %swap3A_146 = tpu.vector_load %arg10[%swap3A_144, %swap3A_145] {strides = array<i32>} : memref<128x128xf32, #tpu.memory_space<vmem>>, vector<1x16xf32>,
        %swap3A_147 = vector.shape_cast %swap3A_146 : vector<1x16xf32> to vector<16xf32>
        %swap3A_148 = vector.shape_cast %mul3A_143 : vector<16xf32> to vector<1x16xf32>
        tpu.vector_store %arg10[%swap3A_144, %swap3A_145], %swap3A_148 {strides = array<i32>} : memref<128x128xf32, #tpu.memory_space<vmem>>, vector<1x16xf32>,
      }
      %scan3A_37 = arith.constant 128 : i32
      "tpu.region"() ({
        %run_scoped3A = tpu.sem_alloc : memref<!tpu.dma_semaphore, #tpu.memory_space<semaphore_mem>>
        %dma_start3A_38 = arith.constant 0 : i32
        %dma_start3A_39 = arith.constant 0 : i32
        %dma_start3A_40 = tpu.memref_slice %arg12[%dma_start3A_38, %dma_start3A_39] : memref<10240x128xf32, #tpu.memory_space<vmem_shared>> -> memref<10240x128xf32, #tpu.memory_space<vmem_shared>>
        tpu.enqueue_indirect_dma source(%arg10 : memref<128x128xf32, #tpu.memory_space<vmem>>) target(%dma_start3A_40 : memref<10240x128xf32, #tpu.memory_space<vmem_shared>>) offsets(%arg9 : memref<128xi32, #tpu.memory_space<vmem>>) semaphore(%run_scoped3A : memref<!tpu.dma_semaphore, #tpu.memory_space<semaphore_mem>>) {add = true}
        %dma_wait3A_41 = arith.constant 0 : i32
        %dma_wait3A_42 = arith.constant 0 : i32
        %dma_wait3A_43 = tpu.memref_slice %arg12[%dma_wait3A_41, %dma_wait3A_42] : memref<10240x128xf32, #tpu.memory_space<vmem_shared>> -> memref<10240x128xf32, #tpu.memory_space<vmem_shared>>
        tpu.wait_indirect_dma semaphore(%run_scoped3A : memref<!tpu.dma_semaphore, #tpu.memory_space<semaphore_mem>>) src(%arg10 : memref<128x128xf32, #tpu.memory_space<vmem>>) dst(%dma_wait3A_43 : memref<10240x128xf32, #tpu.memory_space<vmem_shared>>)
        tpu.yield
      }) : () -> ()
    }
    %while3A_17 = arith.constant 1 : i32
    scf.for %while3A_23 = %while3A_15 to %while3A_11 step %while3A_17  : i32 {
      %mul3A_24 = arith.constant 32 : i32
      %mul3A_25 = arith.muli %while3A_23, %mul3A_24 : i32
      %add3A_26 = arith.addi %add3A, %mul3A_25 : i32
      %mul3A_27 = arith.constant 128 : i32
      %mul3A_28 = arith.muli %add3A_26, %mul3A_27 : i32
      "tpu.region"() ({
        %run_scoped3A = tpu.sem_alloc : memref<!tpu.dma_semaphore, #tpu.memory_space<semaphore_mem>>
        %dma_start3A_38 = tpu.memref_slice %arg4[%mul3A_28] : memref<320000xi32, #tpu.memory_space<hbm>> -> memref<128xi32, #tpu.memory_space<hbm>>
        %dma_start3A_39 = tpu.memref_slice %arg4[%mul3A_28] : memref<320000xi32, #tpu.memory_space<hbm>> -> memref<128xi32, #tpu.memory_space<hbm>>
        tpu.enqueue_dma source(%dma_start3A_39 : memref<128xi32, #tpu.memory_space<hbm>>) target(%arg8 : memref<128xi32, #tpu.memory_space<vmem>>) target_semaphore(%run_scoped3A : memref<!tpu.dma_semaphore, #tpu.memory_space<semaphore_mem>>)
        %dma_wait3A_40 = tpu.memref_slice %arg4[%mul3A_28] : memref<320000xi32, #tpu.memory_space<hbm>> -> memref<128xi32, #tpu.memory_space<hbm>>
        %dma_wait3A_41 = tpu.memref_slice %arg4[%mul3A_28] : memref<320000xi32, #tpu.memory_space<hbm>> -> memref<128xi32, #tpu.memory_space<hbm>>
        tpu.wait_dma2 semaphore(%run_scoped3A : memref<!tpu.dma_semaphore, #tpu.memory_space<semaphore_mem>>) src(%dma_wait3A_41 : memref<128xi32, #tpu.memory_space<hbm>>) dst(%arg8 : memref<128xi32, #tpu.memory_space<vmem>>)
        tpu.yield
      }) : () -> ()
      "tpu.region"() ({
        %run_scoped3A = tpu.sem_alloc : memref<!tpu.dma_semaphore, #tpu.memory_space<semaphore_mem>>
        %dma_start3A_38 = tpu.memref_slice %arg5[%mul3A_28] : memref<320000xi32, #tpu.memory_space<hbm>> -> memref<128xi32, #tpu.memory_space<hbm>>
        %dma_start3A_39 = tpu.memref_slice %arg5[%mul3A_28] : memref<320000xi32, #tpu.memory_space<hbm>> -> memref<128xi32, #tpu.memory_space<hbm>>
        tpu.enqueue_dma source(%dma_start3A_39 : memref<128xi32, #tpu.memory_space<hbm>>) target(%arg9 : memref<128xi32, #tpu.memory_space<vmem>>) target_semaphore(%run_scoped3A : memref<!tpu.dma_semaphore, #tpu.memory_space<semaphore_mem>>)
        %dma_wait3A_40 = tpu.memref_slice %arg5[%mul3A_28] : memref<320000xi32, #tpu.memory_space<hbm>> -> memref<128xi32, #tpu.memory_space<hbm>>
        %dma_wait3A_41 = tpu.memref_slice %arg5[%mul3A_28] : memref<320000xi32, #tpu.memory_space<hbm>> -> memref<128xi32, #tpu.memory_space<hbm>>
        tpu.wait_dma2 semaphore(%run_scoped3A : memref<!tpu.dma_semaphore, #tpu.memory_space<semaphore_mem>>) src(%dma_wait3A_41 : memref<128xi32, #tpu.memory_space<hbm>>) dst(%arg9 : memref<128xi32, #tpu.memory_space<vmem>>)
        tpu.yield
      }) : () -> ()
      %dma_start3A = arith.constant 0 : i32
      %dma_start3A_29 = arith.constant 0 : i32
      %dma_start3A_30 = tpu.memref_slice %arg2[%dma_start3A, %dma_start3A_29] : memref<10000x128xf32, #tpu.memory_space<hbm>> -> memref<10000x128xf32, #tpu.memory_space<hbm>>
      tpu.enqueue_indirect_dma source(%dma_start3A_30 : memref<10000x128xf32, #tpu.memory_space<hbm>>) target(%arg10 : memref<128x128xf32, #tpu.memory_space<vmem>>) offsets(%arg8 : memref<128xi32, #tpu.memory_space<vmem>>) semaphore(%arg13 : memref<!tpu.dma_semaphore, #tpu.memory_space<semaphore_mem>>)
      "tpu.region"() ({
        %run_scoped3A = tpu.sem_alloc : memref<!tpu.dma_semaphore, #tpu.memory_space<semaphore_mem>>
        %dma_start3A_38 = arith.constant 0 : i32
        %dma_start3A_39 = tpu.memref_slice %arg3[%mul3A_28, %dma_start3A_38] : memref<320000x128xf32, #tpu.memory_space<hbm>> -> memref<128x128xf32, #tpu.memory_space<hbm>>
        %dma_start3A_40 = arith.constant 0 : i32
        %dma_start3A_41 = tpu.memref_slice %arg3[%mul3A_28, %dma_start3A_40] : memref<320000x128xf32, #tpu.memory_space<hbm>> -> memref<128x128xf32, #tpu.memory_space<hbm>>
        tpu.enqueue_dma source(%dma_start3A_41 : memref<128x128xf32, #tpu.memory_space<hbm>>) target(%arg11 : memref<128x128xf32, #tpu.memory_space<vmem>>) target_semaphore(%run_scoped3A : memref<!tpu.dma_semaphore, #tpu.memory_space<semaphore_mem>>)
        %dma_wait3A_42 = arith.constant 0 : i32
        %dma_wait3A_43 = tpu.memref_slice %arg3[%mul3A_28, %dma_wait3A_42] : memref<320000x128xf32, #tpu.memory_space<hbm>> -> memref<128x128xf32, #tpu.memory_space<hbm>>
        %dma_wait3A_44 = arith.constant 0 : i32
        %dma_wait3A_45 = tpu.memref_slice %arg3[%mul3A_28, %dma_wait3A_44] : memref<320000x128xf32, #tpu.memory_space<hbm>> -> memref<128x128xf32, #tpu.memory_space<hbm>>
        tpu.wait_dma2 semaphore(%run_scoped3A : memref<!tpu.dma_semaphore, #tpu.memory_space<semaphore_mem>>) src(%dma_wait3A_45 : memref<128x128xf32, #tpu.memory_space<hbm>>) dst(%arg11 : memref<128x128xf32, #tpu.memory_space<vmem>>)
        tpu.yield
      }) : () -> ()
      %dma_wait3A = arith.constant 0 : i32
      %dma_wait3A_31 = arith.constant 0 : i32
      %dma_wait3A_32 = tpu.memref_slice %arg2[%dma_wait3A, %dma_wait3A_31] : memref<10000x128xf32, #tpu.memory_space<hbm>> -> memref<10000x128xf32, #tpu.memory_space<hbm>>
      tpu.wait_indirect_dma semaphore(%arg13 : memref<!tpu.dma_semaphore, #tpu.memory_space<semaphore_mem>>) src(%dma_wait3A_32 : memref<10000x128xf32, #tpu.memory_space<hbm>>) dst(%arg10 : memref<128x128xf32, #tpu.memory_space<vmem>>)
      %scan3A = arith.constant 0 : i32
      %scan3A_33 = arith.constant 0 : i32
      %scan3A_34 = arith.constant 128 : i32
      %scan3A_35 = arith.addi %scan3A_33, %scan3A_34 : i32
      %scan3A_36 = arith.constant 1 : i32
      scf.for %scan3A_38 = %scan3A_33 to %scan3A_35 step %scan3A_36  : i32 {
        %get3A = arith.index_cast %scan3A_38 : i32 to index
        %get3A_39 = arith.constant 0 : index
        %get3A_40 = tpu.vector_load %arg10[%get3A, %get3A_39] {strides = array<i32>} : memref<128x128xf32, #tpu.memory_space<vmem>>, vector<1x16xf32>,
        %get3A_41 = vector.shape_cast %get3A_40 : vector<1x16xf32> to vector<16xf32>
        %get3A_42 = arith.index_cast %scan3A_38 : i32 to index
        %get3A_43 = arith.constant 0 : index
        %get3A_44 = tpu.vector_load %arg11[%get3A_42, %get3A_43] {strides = array<i32>} : memref<128x128xf32, #tpu.memory_space<vmem>>, vector<1x16xf32>,
        %get3A_45 = vector.shape_cast %get3A_44 : vector<1x16xf32> to vector<16xf32>
        %mul3A_46 = arith.mulf %get3A_41, %get3A_45 : vector<16xf32>
        %swap3A = arith.index_cast %scan3A_38 : i32 to index
        %swap3A_47 = arith.constant 0 : index
        %swap3A_48 = tpu.vector_load %arg10[%swap3A, %swap3A_47] {strides = array<i32>} : memref<128x128xf32, #tpu.memory_space<vmem>>, vector<1x16xf32>,
        %swap3A_49 = vector.shape_cast %swap3A_48 : vector<1x16xf32> to vector<16xf32>
        %swap3A_50 = vector.shape_cast %mul3A_46 : vector<16xf32> to vector<1x16xf32>
        tpu.vector_store %arg10[%swap3A, %swap3A_47], %swap3A_50 {strides = array<i32>} : memref<128x128xf32, #tpu.memory_space<vmem>>, vector<1x16xf32>,
        %get3A_51 = arith.index_cast %scan3A_38 : i32 to index
        %get3A_52 = arith.constant 16 : index
        %get3A_53 = tpu.vector_load %arg10[%get3A_51, %get3A_52] {strides = array<i32>} : memref<128x128xf32, #tpu.memory_space<vmem>>, vector<1x16xf32>,
        %get3A_54 = vector.shape_cast %get3A_53 : vector<1x16xf32> to vector<16xf32>
        %get3A_55 = arith.index_cast %scan3A_38 : i32 to index
        %get3A_56 = arith.constant 16 : index
        %get3A_57 = tpu.vector_load %arg11[%get3A_55, %get3A_56] {strides = array<i32>} : memref<128x128xf32, #tpu.memory_space<vmem>>, vector<1x16xf32>,
        %get3A_58 = vector.shape_cast %get3A_57 : vector<1x16xf32> to vector<16xf32>
        %mul3A_59 = arith.mulf %get3A_54, %get3A_58 : vector<16xf32>
        %swap3A_60 = arith.index_cast %scan3A_38 : i32 to index
        %swap3A_61 = arith.constant 16 : index
        %swap3A_62 = tpu.vector_load %arg10[%swap3A_60, %swap3A_61] {strides = array<i32>} : memref<128x128xf32, #tpu.memory_space<vmem>>, vector<1x16xf32>,
        %swap3A_63 = vector.shape_cast %swap3A_62 : vector<1x16xf32> to vector<16xf32>
        %swap3A_64 = vector.shape_cast %mul3A_59 : vector<16xf32> to vector<1x16xf32>
        tpu.vector_store %arg10[%swap3A_60, %swap3A_61], %swap3A_64 {strides = array<i32>} : memref<128x128xf32, #tpu.memory_space<vmem>>, vector<1x16xf32>,
        %get3A_65 = arith.index_cast %scan3A_38 : i32 to index
        %get3A_66 = arith.constant 32 : index
        %get3A_67 = tpu.vector_load %arg10[%get3A_65, %get3A_66] {strides = array<i32>} : memref<128x128xf32, #tpu.memory_space<vmem>>, vector<1x16xf32>,
        %get3A_68 = vector.shape_cast %get3A_67 : vector<1x16xf32> to vector<16xf32>
        %get3A_69 = arith.index_cast %scan3A_38 : i32 to index
        %get3A_70 = arith.constant 32 : index
        %get3A_71 = tpu.vector_load %arg11[%get3A_69, %get3A_70] {strides = array<i32>} : memref<128x128xf32, #tpu.memory_space<vmem>>, vector<1x16xf32>,
        %get3A_72 = vector.shape_cast %get3A_71 : vector<1x16xf32> to vector<16xf32>
        %mul3A_73 = arith.mulf %get3A_68, %get3A_72 : vector<16xf32>
        %swap3A_74 = arith.index_cast %scan3A_38 : i32 to index
        %swap3A_75 = arith.constant 32 : index
        %swap3A_76 = tpu.vector_load %arg10[%swap3A_74, %swap3A_75] {strides = array<i32>} : memref<128x128xf32, #tpu.memory_space<vmem>>, vector<1x16xf32>,
        %swap3A_77 = vector.shape_cast %swap3A_76 : vector<1x16xf32> to vector<16xf32>
        %swap3A_78 = vector.shape_cast %mul3A_73 : vector<16xf32> to vector<1x16xf32>
        tpu.vector_store %arg10[%swap3A_74, %swap3A_75], %swap3A_78 {strides = array<i32>} : memref<128x128xf32, #tpu.memory_space<vmem>>, vector<1x16xf32>,
        %get3A_79 = arith.index_cast %scan3A_38 : i32 to index
        %get3A_80 = arith.constant 48 : index
        %get3A_81 = tpu.vector_load %arg10[%get3A_79, %get3A_80] {strides = array<i32>} : memref<128x128xf32, #tpu.memory_space<vmem>>, vector<1x16xf32>,
        %get3A_82 = vector.shape_cast %get3A_81 : vector<1x16xf32> to vector<16xf32>
        %get3A_83 = arith.index_cast %scan3A_38 : i32 to index
        %get3A_84 = arith.constant 48 : index
        %get3A_85 = tpu.vector_load %arg11[%get3A_83, %get3A_84] {strides = array<i32>} : memref<128x128xf32, #tpu.memory_space<vmem>>, vector<1x16xf32>,
        %get3A_86 = vector.shape_cast %get3A_85 : vector<1x16xf32> to vector<16xf32>
        %mul3A_87 = arith.mulf %get3A_82, %get3A_86 : vector<16xf32>
        %swap3A_88 = arith.index_cast %scan3A_38 : i32 to index
        %swap3A_89 = arith.constant 48 : index
        %swap3A_90 = tpu.vector_load %arg10[%swap3A_88, %swap3A_89] {strides = array<i32>} : memref<128x128xf32, #tpu.memory_space<vmem>>, vector<1x16xf32>,
        %swap3A_91 = vector.shape_cast %swap3A_90 : vector<1x16xf32> to vector<16xf32>
        %swap3A_92 = vector.shape_cast %mul3A_87 : vector<16xf32> to vector<1x16xf32>
        tpu.vector_store %arg10[%swap3A_88, %swap3A_89], %swap3A_92 {strides = array<i32>} : memref<128x128xf32, #tpu.memory_space<vmem>>, vector<1x16xf32>,
        %get3A_93 = arith.index_cast %scan3A_38 : i32 to index
        %get3A_94 = arith.constant 64 : index
        %get3A_95 = tpu.vector_load %arg10[%get3A_93, %get3A_94] {strides = array<i32>} : memref<128x128xf32, #tpu.memory_space<vmem>>, vector<1x16xf32>,
        %get3A_96 = vector.shape_cast %get3A_95 : vector<1x16xf32> to vector<16xf32>
        %get3A_97 = arith.index_cast %scan3A_38 : i32 to index
        %get3A_98 = arith.constant 64 : index
        %get3A_99 = tpu.vector_load %arg11[%get3A_97, %get3A_98] {strides = array<i32>} : memref<128x128xf32, #tpu.memory_space<vmem>>, vector<1x16xf32>,
        %get3A_100 = vector.shape_cast %get3A_99 : vector<1x16xf32> to vector<16xf32>
        %mul3A_101 = arith.mulf %get3A_96, %get3A_100 : vector<16xf32>
        %swap3A_102 = arith.index_cast %scan3A_38 : i32 to index
        %swap3A_103 = arith.constant 64 : index
        %swap3A_104 = tpu.vector_load %arg10[%swap3A_102, %swap3A_103] {strides = array<i32>} : memref<128x128xf32, #tpu.memory_space<vmem>>, vector<1x16xf32>,
        %swap3A_105 = vector.shape_cast %swap3A_104 : vector<1x16xf32> to vector<16xf32>
        %swap3A_106 = vector.shape_cast %mul3A_101 : vector<16xf32> to vector<1x16xf32>
        tpu.vector_store %arg10[%swap3A_102, %swap3A_103], %swap3A_106 {strides = array<i32>} : memref<128x128xf32, #tpu.memory_space<vmem>>, vector<1x16xf32>,
        %get3A_107 = arith.index_cast %scan3A_38 : i32 to index
        %get3A_108 = arith.constant 80 : index
        %get3A_109 = tpu.vector_load %arg10[%get3A_107, %get3A_108] {strides = array<i32>} : memref<128x128xf32, #tpu.memory_space<vmem>>, vector<1x16xf32>,
        %get3A_110 = vector.shape_cast %get3A_109 : vector<1x16xf32> to vector<16xf32>
        %get3A_111 = arith.index_cast %scan3A_38 : i32 to index
        %get3A_112 = arith.constant 80 : index
        %get3A_113 = tpu.vector_load %arg11[%get3A_111, %get3A_112] {strides = array<i32>} : memref<128x128xf32, #tpu.memory_space<vmem>>, vector<1x16xf32>,
        %get3A_114 = vector.shape_cast %get3A_113 : vector<1x16xf32> to vector<16xf32>
        %mul3A_115 = arith.mulf %get3A_110, %get3A_114 : vector<16xf32>
        %swap3A_116 = arith.index_cast %scan3A_38 : i32 to index
        %swap3A_117 = arith.constant 80 : index
        %swap3A_118 = tpu.vector_load %arg10[%swap3A_116, %swap3A_117] {strides = array<i32>} : memref<128x128xf32, #tpu.memory_space<vmem>>, vector<1x16xf32>,
        %swap3A_119 = vector.shape_cast %swap3A_118 : vector<1x16xf32> to vector<16xf32>
        %swap3A_120 = vector.shape_cast %mul3A_115 : vector<16xf32> to vector<1x16xf32>
        tpu.vector_store %arg10[%swap3A_116, %swap3A_117], %swap3A_120 {strides = array<i32>} : memref<128x128xf32, #tpu.memory_space<vmem>>, vector<1x16xf32>,
        %get3A_121 = arith.index_cast %scan3A_38 : i32 to index
        %get3A_122 = arith.constant 96 : index
        %get3A_123 = tpu.vector_load %arg10[%get3A_121, %get3A_122] {strides = array<i32>} : memref<128x128xf32, #tpu.memory_space<vmem>>, vector<1x16xf32>,
        %get3A_124 = vector.shape_cast %get3A_123 : vector<1x16xf32> to vector<16xf32>
        %get3A_125 = arith.index_cast %scan3A_38 : i32 to index
        %get3A_126 = arith.constant 96 : index
        %get3A_127 = tpu.vector_load %arg11[%get3A_125, %get3A_126] {strides = array<i32>} : memref<128x128xf32, #tpu.memory_space<vmem>>, vector<1x16xf32>,
        %get3A_128 = vector.shape_cast %get3A_127 : vector<1x16xf32> to vector<16xf32>
        %mul3A_129 = arith.mulf %get3A_124, %get3A_128 : vector<16xf32>
        %swap3A_130 = arith.index_cast %scan3A_38 : i32 to index
        %swap3A_131 = arith.constant 96 : index
        %swap3A_132 = tpu.vector_load %arg10[%swap3A_130, %swap3A_131] {strides = array<i32>} : memref<128x128xf32, #tpu.memory_space<vmem>>, vector<1x16xf32>,
        %swap3A_133 = vector.shape_cast %swap3A_132 : vector<1x16xf32> to vector<16xf32>
        %swap3A_134 = vector.shape_cast %mul3A_129 : vector<16xf32> to vector<1x16xf32>
        tpu.vector_store %arg10[%swap3A_130, %swap3A_131], %swap3A_134 {strides = array<i32>} : memref<128x128xf32, #tpu.memory_space<vmem>>, vector<1x16xf32>,
        %get3A_135 = arith.index_cast %scan3A_38 : i32 to index
        %get3A_136 = arith.constant 112 : index
        %get3A_137 = tpu.vector_load %arg10[%get3A_135, %get3A_136] {strides = array<i32>} : memref<128x128xf32, #tpu.memory_space<vmem>>, vector<1x16xf32>,
        %get3A_138 = vector.shape_cast %get3A_137 : vector<1x16xf32> to vector<16xf32>
        %get3A_139 = arith.index_cast %scan3A_38 : i32 to index
        %get3A_140 = arith.constant 112 : index
        %get3A_141 = tpu.vector_load %arg11[%get3A_139, %get3A_140] {strides = array<i32>} : memref<128x128xf32, #tpu.memory_space<vmem>>, vector<1x16xf32>,
        %get3A_142 = vector.shape_cast %get3A_141 : vector<1x16xf32> to vector<16xf32>
        %mul3A_143 = arith.mulf %get3A_138, %get3A_142 : vector<16xf32>
        %swap3A_144 = arith.index_cast %scan3A_38 : i32 to index
        %swap3A_145 = arith.constant 112 : index
        %swap3A_146 = tpu.vector_load %arg10[%swap3A_144, %swap3A_145] {strides = array<i32>} : memref<128x128xf32, #tpu.memory_space<vmem>>, vector<1x16xf32>,
        %swap3A_147 = vector.shape_cast %swap3A_146 : vector<1x16xf32> to vector<16xf32>
        %swap3A_148 = vector.shape_cast %mul3A_143 : vector<16xf32> to vector<1x16xf32>
        tpu.vector_store %arg10[%swap3A_144, %swap3A_145], %swap3A_148 {strides = array<i32>} : memref<128x128xf32, #tpu.memory_space<vmem>>, vector<1x16xf32>,
      }
      %scan3A_37 = arith.constant 128 : i32
      "tpu.region"() ({
        %run_scoped3A = tpu.sem_alloc : memref<!tpu.dma_semaphore, #tpu.memory_space<semaphore_mem>>
        %dma_start3A_38 = arith.constant 0 : i32
        %dma_start3A_39 = arith.constant 0 : i32
        %dma_start3A_40 = tpu.memref_slice %arg12[%dma_start3A_38, %dma_start3A_39] : memref<10240x128xf32, #tpu.memory_space<vmem_shared>> -> memref<10240x128xf32, #tpu.memory_space<vmem_shared>>
        tpu.enqueue_indirect_dma source(%arg10 : memref<128x128xf32, #tpu.memory_space<vmem>>) target(%dma_start3A_40 : memref<10240x128xf32, #tpu.memory_space<vmem_shared>>) offsets(%arg9 : memref<128xi32, #tpu.memory_space<vmem>>) semaphore(%run_scoped3A : memref<!tpu.dma_semaphore, #tpu.memory_space<semaphore_mem>>) {add = true}
        %dma_wait3A_41 = arith.constant 0 : i32
        %dma_wait3A_42 = arith.constant 0 : i32
        %dma_wait3A_43 = tpu.memref_slice %arg12[%dma_wait3A_41, %dma_wait3A_42] : memref<10240x128xf32, #tpu.memory_space<vmem_shared>> -> memref<10240x128xf32, #tpu.memory_space<vmem_shared>>
        tpu.wait_indirect_dma semaphore(%run_scoped3A : memref<!tpu.dma_semaphore, #tpu.memory_space<semaphore_mem>>) src(%arg10 : memref<128x128xf32, #tpu.memory_space<vmem>>) dst(%dma_wait3A_43 : memref<10240x128xf32, #tpu.memory_space<vmem_shared>>)
        tpu.yield
      }) : () -> ()
    }
    %barrier3A_18 = arith.constant 0 : index
    tpu.barrier barrier_id(%barrier3A_18)
    %mul3A_19 = arith.constant 640 : i32
    %mul3A_20 = arith.muli %arg1, %mul3A_19 : i32
    %mul3A_21 = arith.constant 640 : i32
    %mul3A_22 = arith.muli %arg1, %mul3A_21 : i32
    "tpu.region"() ({
      %run_scoped3A = tpu.sem_alloc : memref<!tpu.dma_semaphore, #tpu.memory_space<semaphore_mem>>
      %dma_start3A = arith.constant 0 : i32
      %dma_start3A_23 = tpu.memref_slice %arg7[%arg0, %mul3A_22, %dma_start3A] : memref<2x10240x128xf32, #tpu.memory_space<hbm>> -> memref<1x640x128xf32, #tpu.memory_space<hbm>>
      %dma_start3A_24 = tpu.memref_squeeze %dma_start3A_23 : memref<1x640x128xf32, #tpu.memory_space<hbm>> -> memref<640x128xf32, #tpu.memory_space<hbm>>
      %dma_start3A_25 = arith.constant 0 : i32
      %dma_start3A_26 = tpu.memref_slice %arg12[%mul3A_20, %dma_start3A_25] : memref<10240x128xf32, #tpu.memory_space<vmem_shared>> -> memref<640x128xf32, #tpu.memory_space<vmem_shared>>
      tpu.enqueue_dma source(%dma_start3A_26 : memref<640x128xf32, #tpu.memory_space<vmem_shared>>) target(%dma_start3A_24 : memref<640x128xf32, #tpu.memory_space<hbm>>) target_semaphore(%run_scoped3A : memref<!tpu.dma_semaphore, #tpu.memory_space<semaphore_mem>>)
      %dma_wait3A = arith.constant 0 : i32
      %dma_wait3A_27 = tpu.memref_slice %arg7[%arg0, %mul3A_22, %dma_wait3A] : memref<2x10240x128xf32, #tpu.memory_space<hbm>> -> memref<1x640x128xf32, #tpu.memory_space<hbm>>
      %dma_wait3A_28 = tpu.memref_squeeze %dma_wait3A_27 : memref<1x640x128xf32, #tpu.memory_space<hbm>> -> memref<640x128xf32, #tpu.memory_space<hbm>>
      %dma_wait3A_29 = arith.constant 0 : i32
      %dma_wait3A_30 = tpu.memref_slice %arg12[%mul3A_20, %dma_wait3A_29] : memref<10240x128xf32, #tpu.memory_space<vmem_shared>> -> memref<640x128xf32, #tpu.memory_space<vmem_shared>>
      tpu.wait_dma2 semaphore(%run_scoped3A : memref<!tpu.dma_semaphore, #tpu.memory_space<semaphore_mem>>) src(%dma_wait3A_30 : memref<640x128xf32, #tpu.memory_space<vmem_shared>>) dst(%dma_wait3A_28 : memref<640x128xf32, #tpu.memory_space<hbm>>)
      tpu.yield
    }) : () -> ()
    return
  }
}

module attributes {stable_mosaic.version = 14 : i64} {
  func.func @_mm_body(%arg0: memref<10000x128xf32, #tpu.memory_space<vmem>>, %arg1: memref<128x128xf32, #tpu.memory_space<vmem>>, %arg2: memref<10000x128xf32, #tpu.memory_space<vmem>>) attributes {dimension_semantics = [], scalar_prefetch = 0 : i64, scratch_operands = 0 : i64, tpu.core_type = #tpu.core_type<tc>} {
    %get3A = arith.constant 0 : index
    %get3A_0 = arith.constant 0 : index
    %get3A_1 = vector.load %arg0[%get3A, %get3A_0] : memref<10000x128xf32, #tpu.memory_space<vmem>>, vector<10000x128xf32>
    %get3A_2 = arith.constant 0 : index
    %get3A_3 = arith.constant 0 : index
    %get3A_4 = vector.load %arg1[%get3A_2, %get3A_3] : memref<128x128xf32, #tpu.memory_space<vmem>>, vector<128x128xf32>
    %dot_general3A = arith.constant dense<0.000000e+00> : vector<10000x128xf32>
    %dot_general3A_5 = tpu.matmul %get3A_1, %get3A_4, %dot_general3A {dimension_numbers = #tpu.dot_dimension_numbers<[1], [0], [0], [1], [0, 0, 1, 1], [], []>, transpose_lhs_hint = false} : vector<10000x128xf32>, vector<128x128xf32>, vector<10000x128xf32> -> vector<10000x128xf32>
    %swap3A = arith.constant 0 : index
    %swap3A_6 = arith.constant 0 : index
    %swap3A_7 = vector.load %arg2[%swap3A, %swap3A_6] : memref<10000x128xf32, #tpu.memory_space<vmem>>, vector<10000x128xf32>
    tpu.vector_store %arg2[%swap3A, %swap3A_6], %dot_general3A_5 {strides = array<i32>} : memref<10000x128xf32, #tpu.memory_space<vmem>>, vector<10000x128xf32>,
    return
  }
}

module attributes {stable_mosaic.version = 14 : i64} {
  func.func @_filter_body(%arg0: i32, %arg1: memref<16x6400xf32, #tpu.memory_space<vmem>>, %arg2: memref<1x6400xf32, #tpu.memory_space<vmem>>, %arg3: memref<16x128xf32, #tpu.memory_space<vmem>>, %arg4: memref<1x128xf32, #tpu.memory_space<vmem>>, %arg5: memref<128x128xf32, #tpu.memory_space<vmem>>, %arg6: memref<1x128xf32, #tpu.memory_space<vmem>>, %arg7: memref<6400x128xf32, #tpu.memory_space<vmem>>) attributes {dimension_semantics = [#tpu.dimension_semantics<arbitrary>], iteration_bounds = array<i64: 50>, scalar_prefetch = 0 : i64, scratch_operands = 0 : i64, tpu.core_type = #tpu.core_type<tc>, window_params = [{transform_indices = @transform_0, window_bounds = array<i64: 16, 6400>}, {transform_indices = @transform_1, window_bounds = array<i64: 1, 6400>}, {pipeline_mode = #tpu.pipeline_mode<synchronous>, transform_indices = @transform_2, window_bounds = array<i64: 16, 128>}, {pipeline_mode = #tpu.pipeline_mode<synchronous>, transform_indices = @transform_3, window_bounds = array<i64: 1, 128>}, {pipeline_mode = #tpu.pipeline_mode<synchronous>, transform_indices = @transform_4, window_bounds = array<i64: 128, 128>}, {pipeline_mode = #tpu.pipeline_mode<synchronous>, transform_indices = @transform_5, window_bounds = array<i64: 1, 128>}, {transform_indices = @transform_6, window_bounds = array<i64: 6400, 128>}]} {
    %get3A = arith.constant 0 : index
    %get3A_0 = arith.constant 0 : index
    %get3A_1 = vector.load %arg1[%get3A, %get3A_0] : memref<16x6400xf32, #tpu.memory_space<vmem>>, vector<16x6400xf32>
    %transpose3A = tpu.transpose %get3A_1, [1, 0] : vector<16x6400xf32> -> vector<6400x16xf32>
    %get3A_2 = arith.constant 0 : index
    %get3A_3 = arith.constant 0 : index
    %get3A_4 = vector.load %arg3[%get3A_2, %get3A_3] : memref<16x128xf32, #tpu.memory_space<vmem>>, vector<16x128xf32>
    %dot_general3A = arith.constant dense<0.000000e+00> : vector<6400x128xf32>
    %dot_general3A_5 = tpu.matmul %transpose3A, %get3A_4, %dot_general3A {dimension_numbers = #tpu.dot_dimension_numbers<[1], [0], [0], [1], [0, 0, 1, 1], [], []>, transpose_lhs_hint = false} : vector<6400x16xf32>, vector<16x128xf32>, vector<6400x128xf32> -> vector<6400x128xf32>
    %get3A_6 = arith.constant 0 : index
    %get3A_7 = arith.constant 0 : index
    %get3A_8 = vector.load %arg4[%get3A_6, %get3A_7] : memref<1x128xf32, #tpu.memory_space<vmem>>, vector<1x128xf32>
    %add3A = vector.broadcast %get3A_8 : vector<1x128xf32> to vector<6400x128xf32>
    %add3A_9 = arith.addf %dot_general3A_5, %add3A : vector<6400x128xf32>
    %custom_jvp_call3A = arith.constant 0.000000e+00 : f32
    %max3A = vector.broadcast %custom_jvp_call3A : f32 to vector<6400x128xf32>
    %max3A_10 = arith.maximumf %add3A_9, %max3A : vector<6400x128xf32>
    %sub3A = vector.broadcast %custom_jvp_call3A : f32 to vector<6400x128xf32>
    %sub3A_11 = arith.subf %add3A_9, %sub3A : vector<6400x128xf32>
    %ne3A = arith.cmpf one, %sub3A_11, %sub3A_11 : vector<6400x128xf32>
    %add3A_12 = vector.broadcast %custom_jvp_call3A : f32 to vector<6400x128xf32>
    %add3A_13 = arith.addf %add3A_9, %add3A_12 : vector<6400x128xf32>
    %abs3A = math.absf %sub3A_11 : vector<6400x128xf32>
    %neg3A = arith.constant 0.000000e+00 : f32
    %neg3A_14 = vector.broadcast %neg3A : f32 to vector<6400x128xf32>
    %neg3A_15 = arith.subf %neg3A_14, %abs3A : vector<6400x128xf32>
    %exp3A = math.exp %neg3A_15 : vector<6400x128xf32>
    %log1p3A = math.log1p %exp3A : vector<6400x128xf32>
    %add3A_16 = arith.addf %max3A_10, %log1p3A : vector<6400x128xf32>
    %select_n3A = arith.select %ne3A, %add3A_13, %add3A_16 : vector<6400x128xi1>, vector<6400x128xf32>
    %log3A = arith.constant 2.000000e+00 : f32
    %log3A_17 = math.log %log3A : f32
    %sub3A_18 = vector.broadcast %log3A_17 : f32 to vector<6400x128xf32>
    %sub3A_19 = arith.subf %select_n3A, %sub3A_18 : vector<6400x128xf32>
    %get3A_20 = arith.constant 0 : index
    %get3A_21 = arith.constant 0 : index
    %get3A_22 = vector.load %arg5[%get3A_20, %get3A_21] : memref<128x128xf32, #tpu.memory_space<vmem>>, vector<128x128xf32>
    %dot_general3A_23 = arith.constant dense<0.000000e+00> : vector<6400x128xf32>
    %dot_general3A_24 = tpu.matmul %sub3A_19, %get3A_22, %dot_general3A_23 {dimension_numbers = #tpu.dot_dimension_numbers<[1], [0], [0], [1], [0, 0, 1, 1], [], []>, transpose_lhs_hint = false} : vector<6400x128xf32>, vector<128x128xf32>, vector<6400x128xf32> -> vector<6400x128xf32>
    %get3A_25 = arith.constant 0 : index
    %get3A_26 = arith.constant 0 : index
    %get3A_27 = vector.load %arg6[%get3A_25, %get3A_26] : memref<1x128xf32, #tpu.memory_space<vmem>>, vector<1x128xf32>
    %add3A_28 = vector.broadcast %get3A_27 : vector<1x128xf32> to vector<6400x128xf32>
    %add3A_29 = arith.addf %dot_general3A_24, %add3A_28 : vector<6400x128xf32>
    %get3A_30 = arith.constant 0 : index
    %get3A_31 = arith.constant 0 : index
    %get3A_32 = vector.load %arg2[%get3A_30, %get3A_31] : memref<1x6400xf32, #tpu.memory_space<vmem>>, vector<1x6400xf32>
    %mul3A = arith.constant 0.314159274 : f32
    %mul3A_33 = vector.broadcast %mul3A : f32 to vector<1x6400xf32>
    %mul3A_34 = arith.mulf %get3A_32, %mul3A_33 : vector<1x6400xf32>
    %square3A = arith.mulf %mul3A_34, %mul3A_34 : vector<1x6400xf32>
    %mul3A_35 = arith.constant 2.48015876E-5 : f32
    %mul3A_36 = vector.broadcast %mul3A_35 : f32 to vector<1x6400xf32>
    %mul3A_37 = arith.mulf %square3A, %mul3A_36 : vector<1x6400xf32>
    %add3A_38 = arith.constant -0.00138888892 : f32
    %add3A_39 = vector.broadcast %add3A_38 : f32 to vector<1x6400xf32>
    %add3A_40 = arith.addf %add3A_39, %mul3A_37 : vector<1x6400xf32>
    %mul3A_41 = arith.mulf %square3A, %add3A_40 : vector<1x6400xf32>
    %add3A_42 = arith.constant 0.0416666679 : f32
    %add3A_43 = vector.broadcast %add3A_42 : f32 to vector<1x6400xf32>
    %add3A_44 = arith.addf %add3A_43, %mul3A_41 : vector<1x6400xf32>
    %mul3A_45 = arith.mulf %square3A, %add3A_44 : vector<1x6400xf32>
    %add3A_46 = arith.constant -5.000000e-01 : f32
    %add3A_47 = vector.broadcast %add3A_46 : f32 to vector<1x6400xf32>
    %add3A_48 = arith.addf %add3A_47, %mul3A_45 : vector<1x6400xf32>
    %mul3A_49 = arith.mulf %square3A, %add3A_48 : vector<1x6400xf32>
    %add3A_50 = arith.constant 1.000000e+00 : f32
    %add3A_51 = vector.broadcast %add3A_50 : f32 to vector<1x6400xf32>
    %add3A_52 = arith.addf %add3A_51, %mul3A_49 : vector<1x6400xf32>
    %add3A_53 = arith.constant 1.000000e+00 : f32
    %add3A_54 = vector.broadcast %add3A_53 : f32 to vector<1x6400xf32>
    %add3A_55 = arith.addf %add3A_52, %add3A_54 : vector<1x6400xf32>
    %mul3A_56 = arith.constant 5.000000e-01 : f32
    %mul3A_57 = vector.broadcast %mul3A_56 : f32 to vector<1x6400xf32>
    %mul3A_58 = arith.mulf %mul3A_57, %add3A_55 : vector<1x6400xf32>
    %transpose3A_59 = tpu.transpose %mul3A_58, [1, 0] : vector<1x6400xf32> -> vector<6400x1xf32>
    %mul3A_60 = vector.broadcast %transpose3A_59 : vector<6400x1xf32> to vector<6400x128xf32>
    %mul3A_61 = arith.mulf %add3A_29, %mul3A_60 : vector<6400x128xf32>
    %swap3A = arith.constant 0 : index
    %swap3A_62 = arith.constant 0 : index
    %swap3A_63 = vector.load %arg7[%swap3A, %swap3A_62] : memref<6400x128xf32, #tpu.memory_space<vmem>>, vector<6400x128xf32>
    tpu.vector_store %arg7[%swap3A, %swap3A_62], %mul3A_61 {strides = array<i32>} : memref<6400x128xf32, #tpu.memory_space<vmem>>, vector<6400x128xf32>,
    return
  }
  func.func @transform_0(%arg0: i32) -> (i32, i32) {
    %c0_i32 = arith.constant 0 : i32
    %c0_i32_0 = arith.constant 0 : i32
    return %c0_i32, %arg0 : i32, i32
  }
  func.func @transform_1(%arg0: i32) -> (i32, i32) {
    %c0_i32 = arith.constant 0 : i32
    %c0_i32_0 = arith.constant 0 : i32
    return %c0_i32, %arg0 : i32, i32
  }
  func.func @transform_2(%arg0: i32) -> (i32, i32) {
    %c0_i32 = arith.constant 0 : i32
    %c0_i32_0 = arith.constant 0 : i32
    %c0_i32_1 = arith.constant 0 : i32
    return %c0_i32, %c0_i32_0 : i32, i32
  }
  func.func @transform_3(%arg0: i32) -> (i32, i32) {
    %c0_i32 = arith.constant 0 : i32
    %c0_i32_0 = arith.constant 0 : i32
    %c0_i32_1 = arith.constant 0 : i32
    return %c0_i32, %c0_i32_0 : i32, i32
  }
  func.func @transform_4(%arg0: i32) -> (i32, i32) {
    %c0_i32 = arith.constant 0 : i32
    %c0_i32_0 = arith.constant 0 : i32
    %c0_i32_1 = arith.constant 0 : i32
    return %c0_i32, %c0_i32_0 : i32, i32
  }
  func.func @transform_5(%arg0: i32) -> (i32, i32) {
    %c0_i32 = arith.constant 0 : i32
    %c0_i32_0 = arith.constant 0 : i32
    %c0_i32_1 = arith.constant 0 : i32
    return %c0_i32, %c0_i32_0 : i32, i32
  }
  func.func @transform_6(%arg0: i32) -> (i32, i32) {
    %c0_i32 = arith.constant 0 : i32
    %c0_i32_0 = arith.constant 0 : i32
    return %arg0, %c0_i32 : i32, i32
  }
}

module attributes {stable_mosaic.version = 14 : i64} {
  func.func @_tail_body(%arg0: i32, %arg1: memref<1x10000x128xf32, #tpu.memory_space<vmem>>, %arg2: memref<1x10000x128xf32, #tpu.memory_space<vmem>>, %arg3: memref<128x128xf32, #tpu.memory_space<vmem>>, %arg4: memref<1x128xf32, #tpu.memory_space<vmem>>, %arg5: memref<128x128xf32, #tpu.memory_space<vmem>>, %arg6: memref<1x128xf32, #tpu.memory_space<vmem>>, %arg7: memref<10000x128xf32, #tpu.memory_space<vmem>>) attributes {dimension_semantics = [#tpu.dimension_semantics<arbitrary>], iteration_bounds = array<i64: 1>, scalar_prefetch = 0 : i64, scratch_operands = 0 : i64, tpu.core_type = #tpu.core_type<tc>, window_params = [{transform_indices = @transform_0, window_bounds = array<i64: 1, 10000, 128>}, {transform_indices = @transform_1, window_bounds = array<i64: 1, 10000, 128>}, {pipeline_mode = #tpu.pipeline_mode<synchronous>, transform_indices = @transform_2, window_bounds = array<i64: 128, 128>}, {pipeline_mode = #tpu.pipeline_mode<synchronous>, transform_indices = @transform_3, window_bounds = array<i64: 1, 128>}, {pipeline_mode = #tpu.pipeline_mode<synchronous>, transform_indices = @transform_4, window_bounds = array<i64: 128, 128>}, {pipeline_mode = #tpu.pipeline_mode<synchronous>, transform_indices = @transform_5, window_bounds = array<i64: 1, 128>}, {pipeline_mode = #tpu.pipeline_mode<synchronous>, transform_indices = @transform_6, window_bounds = array<i64: 10000, 128>}]} {
    %get3A = arith.constant 0 : index
    %get3A_0 = arith.constant 0 : index
    %get3A_1 = arith.constant 0 : index
    %get3A_2 = vector.load %arg1[%get3A, %get3A_0, %get3A_1] : memref<1x10000x128xf32, #tpu.memory_space<vmem>>, vector<1x10000x128xf32>
    %get3A_3 = vector.shape_cast %get3A_2 : vector<1x10000x128xf32> to vector<10000x128xf32>
    %get3A_4 = arith.constant 0 : index
    %get3A_5 = arith.constant 0 : index
    %get3A_6 = arith.constant 0 : index
    %get3A_7 = vector.load %arg2[%get3A_4, %get3A_5, %get3A_6] : memref<1x10000x128xf32, #tpu.memory_space<vmem>>, vector<1x10000x128xf32>
    %get3A_8 = vector.shape_cast %get3A_7 : vector<1x10000x128xf32> to vector<10000x128xf32>
    %add3A = arith.addf %get3A_3, %get3A_8 : vector<10000x128xf32>
    %get3A_9 = arith.constant 0 : index
    %get3A_10 = arith.constant 0 : index
    %get3A_11 = vector.load %arg3[%get3A_9, %get3A_10] : memref<128x128xf32, #tpu.memory_space<vmem>>, vector<128x128xf32>
    %dot_general3A = arith.constant dense<0.000000e+00> : vector<10000x128xf32>
    %dot_general3A_12 = tpu.matmul %add3A, %get3A_11, %dot_general3A {dimension_numbers = #tpu.dot_dimension_numbers<[1], [0], [0], [1], [0, 0, 1, 1], [], []>, transpose_lhs_hint = false} : vector<10000x128xf32>, vector<128x128xf32>, vector<10000x128xf32> -> vector<10000x128xf32>
    %get3A_13 = arith.constant 0 : index
    %get3A_14 = arith.constant 0 : index
    %get3A_15 = vector.load %arg4[%get3A_13, %get3A_14] : memref<1x128xf32, #tpu.memory_space<vmem>>, vector<1x128xf32>
    %add3A_16 = vector.broadcast %get3A_15 : vector<1x128xf32> to vector<10000x128xf32>
    %add3A_17 = arith.addf %dot_general3A_12, %add3A_16 : vector<10000x128xf32>
    %custom_jvp_call3A = arith.constant 0.000000e+00 : f32
    %max3A = vector.broadcast %custom_jvp_call3A : f32 to vector<10000x128xf32>
    %max3A_18 = arith.maximumf %add3A_17, %max3A : vector<10000x128xf32>
    %sub3A = vector.broadcast %custom_jvp_call3A : f32 to vector<10000x128xf32>
    %sub3A_19 = arith.subf %add3A_17, %sub3A : vector<10000x128xf32>
    %ne3A = arith.cmpf one, %sub3A_19, %sub3A_19 : vector<10000x128xf32>
    %add3A_20 = vector.broadcast %custom_jvp_call3A : f32 to vector<10000x128xf32>
    %add3A_21 = arith.addf %add3A_17, %add3A_20 : vector<10000x128xf32>
    %abs3A = math.absf %sub3A_19 : vector<10000x128xf32>
    %neg3A = arith.constant 0.000000e+00 : f32
    %neg3A_22 = vector.broadcast %neg3A : f32 to vector<10000x128xf32>
    %neg3A_23 = arith.subf %neg3A_22, %abs3A : vector<10000x128xf32>
    %exp3A = math.exp %neg3A_23 : vector<10000x128xf32>
    %log1p3A = math.log1p %exp3A : vector<10000x128xf32>
    %add3A_24 = arith.addf %max3A_18, %log1p3A : vector<10000x128xf32>
    %select_n3A = arith.select %ne3A, %add3A_21, %add3A_24 : vector<10000x128xi1>, vector<10000x128xf32>
    %log3A = arith.constant 2.000000e+00 : f32
    %log3A_25 = math.log %log3A : f32
    %sub3A_26 = vector.broadcast %log3A_25 : f32 to vector<10000x128xf32>
    %sub3A_27 = arith.subf %select_n3A, %sub3A_26 : vector<10000x128xf32>
    %get3A_28 = arith.constant 0 : index
    %get3A_29 = arith.constant 0 : index
    %get3A_30 = vector.load %arg5[%get3A_28, %get3A_29] : memref<128x128xf32, #tpu.memory_space<vmem>>, vector<128x128xf32>
    %dot_general3A_31 = arith.constant dense<0.000000e+00> : vector<10000x128xf32>
    %dot_general3A_32 = tpu.matmul %sub3A_27, %get3A_30, %dot_general3A_31 {dimension_numbers = #tpu.dot_dimension_numbers<[1], [0], [0], [1], [0, 0, 1, 1], [], []>, transpose_lhs_hint = false} : vector<10000x128xf32>, vector<128x128xf32>, vector<10000x128xf32> -> vector<10000x128xf32>
    %get3A_33 = arith.constant 0 : index
    %get3A_34 = arith.constant 0 : index
    %get3A_35 = vector.load %arg6[%get3A_33, %get3A_34] : memref<1x128xf32, #tpu.memory_space<vmem>>, vector<1x128xf32>
    %add3A_36 = vector.broadcast %get3A_35 : vector<1x128xf32> to vector<10000x128xf32>
    %add3A_37 = arith.addf %dot_general3A_32, %add3A_36 : vector<10000x128xf32>
    %swap3A = arith.constant 0 : index
    %swap3A_38 = arith.constant 0 : index
    %swap3A_39 = vector.load %arg7[%swap3A, %swap3A_38] : memref<10000x128xf32, #tpu.memory_space<vmem>>, vector<10000x128xf32>
    tpu.vector_store %arg7[%swap3A, %swap3A_38], %add3A_37 {strides = array<i32>} : memref<10000x128xf32, #tpu.memory_space<vmem>>, vector<10000x128xf32>,
    return
  }
  func.func @transform_0(%arg0: i32) -> (i32, i32, i32) {
    %c0_i32 = arith.constant 0 : i32
    %c0_i32_0 = arith.constant 0 : i32
    %c0_i32_1 = arith.constant 0 : i32
    %c0_i32_2 = arith.constant 0 : i32
    return %c0_i32, %c0_i32_0, %c0_i32_1 : i32, i32, i32
  }
  func.func @transform_1(%arg0: i32) -> (i32, i32, i32) {
    %c1_i32 = arith.constant 1 : i32
    %c0_i32 = arith.constant 0 : i32
    %c0_i32_0 = arith.constant 0 : i32
    %c0_i32_1 = arith.constant 0 : i32
    return %c1_i32, %c0_i32, %c0_i32_0 : i32, i32, i32
  }
  func.func @transform_2(%arg0: i32) -> (i32, i32) {
    %c0_i32 = arith.constant 0 : i32
    %c0_i32_0 = arith.constant 0 : i32
    %c0_i32_1 = arith.constant 0 : i32
    return %c0_i32, %c0_i32_0 : i32, i32
  }
  func.func @transform_3(%arg0: i32) -> (i32, i32) {
    %c0_i32 = arith.constant 0 : i32
    %c0_i32_0 = arith.constant 0 : i32
    %c0_i32_1 = arith.constant 0 : i32
    return %c0_i32, %c0_i32_0 : i32, i32
  }
  func.func @transform_4(%arg0: i32) -> (i32, i32) {
    %c0_i32 = arith.constant 0 : i32
    %c0_i32_0 = arith.constant 0 : i32
    %c0_i32_1 = arith.constant 0 : i32
    return %c0_i32, %c0_i32_0 : i32, i32
  }
  func.func @transform_5(%arg0: i32) -> (i32, i32) {
    %c0_i32 = arith.constant 0 : i32
    %c0_i32_0 = arith.constant 0 : i32
    %c0_i32_1 = arith.constant 0 : i32
    return %c0_i32, %c0_i32_0 : i32, i32
  }
  func.func @transform_6(%arg0: i32) -> (i32, i32) {
    %c0_i32 = arith.constant 0 : i32
    %c0_i32_0 = arith.constant 0 : i32
    %c0_i32_1 = arith.constant 0 : i32
    return %c0_i32, %c0_i32_0 : i32, i32
  }
}

</mosaic_0001>

<sc_bundles>
// kernel: kernel.6.cloned.1.call-start
scs
__scs_entry_jumppad:
0x0: {  	(pc) =	sbr.rel $0x88, $3  }
0x1: {  	(tag) =	ssettag $0x0;
	lr =	simm.s32 $0x1  }
0x2: {  	[smem:$0x3F94] =	sst lr;
	_ =	strace $0xD0000000  }
0x3: {  	_ = 	snop  }
0x4: {  	_ = 	snop  }
0x5: {  	_ = 	snop  }
0x6: {  	_ = 	snop  }
0x7: {  	_ = 	snop  }
__scs_overlays_trampoline_lowered:
0x8: {  	[smem:$0x3FA3] =	sst s0  }
0x9: {  	[smem:$0x3FA4] =	sst s1  }
0xa: {  	[smem:$0x3FA5] =	sst s2  }
0xb: {  	[smem:$0x3FA6] =	sst s3  }
0xc: {  	[smem:$0x3FA7] =	sst s4  }
0xd: {  	[smem:$0x3FA8] =	sst s5  }
0xe: {  	[smem:$0x3FA9] =	sst s6  }
0xf: {  	[smem:$0x3FAA] =	sst s7  }
0x10: {  	[smem:$0x3FAB] =	sst s8  }
0x11: {  	[smem:$0x3FAC] =	sst s9;
	s0 =	simm.s32 @!p0 $0x0  }
0x12: {  	s1 =	sld [smem:$0x3F92];
	s0 =	simm.s32 @p0 $0x1  }
0x13: {  	[smem:$0x3FAD] =	sst s0;
	s0 =	simm.s32 @!p1 $0x0  }
0x14: {  	s2 =	sld [smem:$0x3F91];
	s0 =	simm.s32 @p1 $0x1  }
0x15: {  	[smem:$0x3FAE] =	sst s0;
	s0 =	simm.s32 @!p2 $0x0  }
0x16: {  	s3 =	sld [smem:$0x3FDB];
	s0 =	simm.s32 @p2 $0x1  }
0x17: {  	s4 =	simm.s32 $0x1BF5;
	[smem:$0x3FB0] =	sst s0  }
0x18: {  	s0 =	sld [smem:$0x3F93];
	_ =	swait.ge [sflag:s4], $0x0  }
0x19: {  	s7 =	sld [smem:$0x3F94]  }
0x1a: {  	s8 =	sadd.s32 $0xFFFFE003, lr  }
0x1b: {  	s9 =	sadd.s32 $0xFFFFFEF7, lr;
	s5 =	simm.s32 $0xFFFFFFFF;
	p2 =	slt.u32 s8, $0xFFFFF086  }
0x1c: {  	p1 =	slt.u32 s9, $0xF7A;
	s5 =	simm.s32 @!p2 $0x0  }
0x1d: {  	s5 =	simm.s32 @p1 $0x1;
	p0 =	seq.s32 s7, s2  }
0x1e: {  	s7 =	smul.u32 @!p0 $0xF7A, s2;
	p2 =	seq.s32 @!p0 s5, $0x0  }
0x1f: {  	s9 =	smul.u32 $0xF7A, s1;
	s8 =	simm.s32 @!p0 $0x1BF5;
	p2 =	por !p2, p0  }
0x20: {  	[sflag:s8] =	ssyncset.s32 @!p0 $0xFFFFF086;
	s6 =	sadd.s32 @!p0 s3, s7;
	s7 =	simm.s32 @!p0 $0x108  }
0x21: {  	s3 =	sadd.s32 s3, s9;
	s6 =	sadd.s32 @!p0 $0x88, s6;
	s7 =	simm.s32 @p2 $0x1082  }
0x22: {  	[simem:s7], [sflag:s8] =	dma.local @!p0 [hbm:s6], $0xF7A  }
0x23: {  	s9 =	sor.u32 $0xD0000000, s2;
	s6 =	simm.s32 $0x108;
	_ =	swait.ge @!p0 [sflag:s8], $0x0  }
0x24: {  	s3 =	sadd.s32 $0x88, s3;
	s6 =	simm.s32 @!p1 $0x1082;
	[sflag:s4] =	ssyncset.s32 $0xFFFFF086  }
0x25: {  	[simem:s6], [sflag:s4] =	dma.local [hbm:s3], $0xF7A  }
0x26: {  	[smem:$0x3F94] =	sst s1;
	(tag) =	ssettag s2;
	_ =	strace s9  }
0x27: {  	s1 =	sld [smem:$0x3FA4]  }
0x28: {  	s2 =	sld [smem:$0x3FA5]  }
0x29: {  	s4 =	sld [smem:$0x3FA7]  }
0x2a: {  	p0 =	seq.s32 s5, $0x0;
	s5 =	sld [smem:$0x3FA8]  }
0x2b: {  	s6 =	sld [smem:$0x3FA9]  }
0x2c: {  	s7 =	sld [smem:$0x3FAA]  }
0x2d: {  	s3 =	simm.s32 $0x108;
	s8 =	sld [smem:$0x3FAB]  }
0x2e: {  	s3 =	simm.s32 @!p0 $0x1082;
	s9 =	sld [smem:$0x3FAC]  }
0x2f: {  	lr =	sadd.s32 s0, s3;
	s0 =	sld [smem:$0x3FA3]  }
0x30: {  	s3 =	sld [smem:$0x3FA6]  }
0x31: {  	[smem:$0x3FAF] =	sst s10  }
0x32: {  	s10 =	sld [smem:$0x3FAD];
	_ =	sdelay $0x3  }
0x33: {  	p0 =	seq.s32 s10, $0x1;
	s10 =	sld [smem:$0x3FAF];
	_ =	sdelay $0x3  }
0x34: {  	[smem:$0x3FAF] =	sst s10  }
0x35: {  	s10 =	sld [smem:$0x3FAE];
	_ =	sdelay $0x3  }
0x36: {  	p1 =	seq.s32 s10, $0x1;
	s10 =	sld [smem:$0x3FAF];
	_ =	sdelay $0x3  }
0x37: {  	[smem:$0x3FAF] =	sst s10  }
0x38: {  	s10 =	sld [smem:$0x3FB0]  }
0x39: {  	_ = 	snop;
	(pc) =	sbr.ind lr, $3  }
0x3a: {  	_ = 	snop  }
0x3b: {  	_ = 	snop  }
0x3c: {  	p2 =	seq.s32 s10, $0x1;
	s10 =	sld [smem:$0x3FAF]  }
0x3d: {  	_ =	shalt  }
0x3e: {  	_ =	shalt  }
0x3f: {  	_ =	shalt  }
0x40: {  	_ =	shalt  }
0x41: {  	_ =	shalt  }
0x42: {  	_ =	shalt  }
0x43: {  	_ =	shalt  }
0x44: {  	_ =	shalt  }
0x45: {  	_ =	shalt  }
0x46: {  	_ =	shalt  }
0x47: {  	_ =	shalt  }
0x48: {  	_ =	shalt  }
0x49: {  	_ =	shalt  }
0x4a: {  	_ =	shalt  }
0x4b: {  	_ =	shalt  }
0x4c: {  	_ =	shalt  }
0x4d: {  	_ =	shalt  }
0x4e: {  	_ =	shalt  }
0x4f: {  	_ =	shalt  }
0x50: {  	_ =	shalt  }
0x51: {  	_ =	shalt  }
0x52: {  	_ =	shalt  }
0x53: {  	_ =	shalt  }
0x54: {  	_ =	shalt  }
0x55: {  	_ =	shalt  }
0x56: {  	_ =	shalt  }
0x57: {  	_ =	shalt  }
0x58: {  	_ =	shalt  }
0x59: {  	_ =	shalt  }
0x5a: {  	_ =	shalt  }
0x5b: {  	_ =	shalt  }
0x5c: {  	_ =	shalt  }
0x5d: {  	_ =	shalt  }
0x5e: {  	_ =	shalt  }
0x5f: {  	_ =	shalt  }
0x60: {  	_ =	shalt  }
0x61: {  	_ =	shalt  }
0x62: {  	_ =	shalt  }
0x63: {  	_ =	shalt  }
0x64: {  	_ =	shalt  }
0x65: {  	_ =	shalt  }
0x66: {  	_ =	shalt  }
0x67: {  	_ =	shalt  }
0x68: {  	_ =	shalt  }
0x69: {  	_ =	shalt  }
0x6a: {  	_ =	shalt  }
0x6b: {  	_ =	shalt  }
0x6c: {  	_ =	shalt  }
0x6d: {  	_ =	shalt  }
0x6e: {  	_ =	shalt  }
0x6f: {  	_ =	shalt  }
0x70: {  	_ =	shalt  }
0x71: {  	_ =	shalt  }
0x72: {  	_ =	shalt  }
0x73: {  	_ =	shalt  }
0x74: {  	_ =	shalt  }
0x75: {  	_ =	shalt  }
0x76: {  	_ =	shalt  }
0x77: {  	_ =	shalt  }
0x78: {  	_ =	shalt  }
0x79: {  	_ =	shalt  }
0x7a: {  	_ =	shalt  }
0x7b: {  	_ =	shalt  }
0x7c: {  	_ =	shalt  }
0x7d: {  	_ =	shalt  }
0x7e: {  	_ =	shalt  }
0x7f: {  	_ =	shalt  }
0x80: {  	_ =	shalt  }
0x81: {  	_ =	shalt  }
0x82: {  	_ =	shalt  }
0x83: {  	_ =	shalt  }
0x84: {  	_ =	shalt  }
0x85: {  	_ =	shalt  }
0x86: {  	_ =	shalt  }
0x87: {  	_ =	shalt  }
.Lfunc_end0:
.L_simem_size_0:
called_computation_lowered:
.L_overlay_start_0:
0x88: {  	s2 =	sld [smem:$0x3FD9]  }
0x89: {  	s3 =	sld [smem:$0x3FFE];
	_ =	sdelay $0x1  }
0x8a: {  	s1 =	srdreg.scid  }
0x8b: {  	s0 =	sand.u32 $0x1, s1  }
0x8c: {  	s17 =	sshll.u32 s0, $0xA;
	s2 =	sadd.s32 s3, s2  }
0x8d: {  	s2 =	sadd.s32 s2, s17  }
0x8e: {  	[smem:$0x3FBB] =	sst s2  }
0x8f: {  	_ = 	snop  }
0x90: {  	s2 =	sld [smem:$0x3FD0];
	(tm) =	ssettm $0x1  }
0x91: {  	s18 =	sld [smem:$0x3FFB];
	_ =	sdelay $0x3  }
0x92: {  	_ =	strace s18  }
0x93: {  	s3 =	sld [smem:$0x3FFC];
	_ =	sdelay $0x3  }
0x94: {  	_ =	strace s3  }
0x95: {  	s3 =	sld [smem:$0x3FFD];
	_ =	sdelay $0x3  }
0x96: {  	_ =	strace s3  }
0x97: {  	_ =	strace $0x8FFFFFFF  }
0x98: {  	s19 =	sld [smem:$0x3FDB];
	_ =	sdelay $0x1  }
0x99: {  	s4 =	simm.s32 $_scs_section_size  }
0x9a: {  	s5 =	simm.s32 $_size__tile_overlayer_lowered;
	s6 =	simm.s32 $_tile_overlayer_lowered  }
0x9b: {  	s22 =	simm.s32 $0x1BFF;
	s21 =	sshll.u32 s6, $0x1;
	s3 =	sadd.s32 s4, s19  }
0x9c: {  	s7 =	simm.s32 $0x0;
	s20 =	sshll.u32 s5, $0x1;
	s5 =	sadd.s32 s21, s3  }
0x9d: {  	[timem:s7], [sflag:s22] =	dma.local [hbm:s5], s20  }
0x9e: {  	_ =	swait.ge [sflag:s22], s20  }
0x9f: {  	s4 =	ssub.s32 $0x0, s20;
	[sflag:s22] =	ssyncset.done $0x0  }
0xa0: {  	[sflag:s22] =	ssyncadd.s32 s4;
	_ =	sdelay $0x1  }
0xa1: {  	s23 =	simm.s32 $0x1B8B  }
0xa2: {  	_ =	swait.ge [sflag:s23], $0x1  }
0xa3: {  	[sflag:s23] =	ssyncset.done $0x0  }
0xa4: {  	s25 =	simm.s32 $0x1B8E;
	s24 =	sld [smem:$0x3FFE];
	[sflag:s23] =	ssyncadd.s32 $0xFFFFFFFF  }
0xa5: {  	s26 =	simm.s32 $execute0_lowered;
	[smem:$0x3FD2] =	sst s25  }
0xa6: {  	s5 =	sshll.u32 s26, $0x1;
	_ =	strace $0x80000046;
	[dreg:$0x1] =	wrdreg $0xFFFFFFFF  }
0xa7: {  	s28 =	simm.s32 $_size_execute0_lowered;
	s3 =	sadd.s32 s3, s5;
	[dreg:$0x0] =	wrdreg $0x0  }
0xa8: {  	s5 =	sshll.u32 s28, $0x1;
	[dreg:$0x2] =	wrdreg s3  }
0xa9: {  	[dreg:$0x3] =	wrdreg s5  }
0xaa: {  	[dreg:$0x4] =	wrdreg $0xC0  }
0xab: {  	_ =	task [dreg:s7], $0x5FFFF  }
0xac: {  	[dreg:$0x1] =	wrdreg $0xFFFFFFFF  }
0xad: {  	[dreg:$0x0] =	wrdreg $0x60  }
0xae: {  	[dreg:$0x2] =	wrdreg s2  }
0xaf: {  	[dreg:$0x3] =	wrdreg s24  }
0xb0: {  	[dreg:$0x4] =	wrdreg $0x81000  }
0xb1: {  	[dreg:$0x5] =	wrdreg $0x9  }
0xb2: {  	_ =	task.clear_ibuf [dreg:s7], $0x6FFFF;
	_ =	strace $0x90000046  }
0xb3: {  	s29 =	simm.s32 $0x9;
	_ =	strace $0x80000048  }
0xb4: {  	_ =	swait.ge [sflag:s29], $0x1  }
0xb5: {  	[sflag:s29] =	ssyncadd.s32 $0xFFFFFFFF  }
0xb6: {  	_ =	strace $0x90000048  }
0xb7: {  	_ =	sfence  }
0xb8: {  	s30 =	sld [smem:$0x0];
	_ =	sdelay $0x2  }
0xb9: {  	s31 =	sshll.u32 s1, $0xD;
	s1 =	sshrl.u32 s1, $0x2  }
0xba: {  	s3 =	sand.u32 $0x4000, s31;
	s1 =	sadd.s32 s1, s30  }
0xbb: {  	s0 =	sor.u32 s3, s0;
	s1 =	sshll.u32 s1, $0x11  }
0xbc: {  	s0 =	sor.u32 s1, s0  }
0xbd: {  	s0 =	sadd.s32 $0x8F2B, s0  }
0xbe: {  	[sflag:s0] =	ssyncadd.remote.s32 $0x1  }
0xbf: {  	_ =	sfence.sel $0xFFFF  }
0xc0: {  	[dreg:$0x0] =	wrdreg $0xFFFFFFFF;
	(pc) =	sbr.abs _section_cstart, $3  }
0xc1: {  	[dreg:$0x1] =	wrdreg $0xFFFFFFFF  }
0xc2: {  	_ =	task.clear_ibuf [dreg:s7], $0x2FFFF;
	_ =	strace $0x9FFFFFFF  }
0xc3: {  	(tm) =	ssettm $0x7FFFFFFF  }
tec
execute0_lowered:
.L_overlay_start_1:
0x0: {  	(tag) =	ssettag $0x1  }
0x1: {  	s1 =	rddreg [dreg:$0x0]  }
0x2: {  	s8 =	rddreg [dreg:$0x1]  }
0x3: {  	s3 =	rddreg [dreg:$0x2]  }
0x4: {  	s0 =	rddreg [dreg:$0x3];
	s4 =	simm.s32 $0x0  }
0x5: {  	s2 =	stileid.u32;
	s5 =	srdreg.scid;
	s17 =	simm.s32 $0x100  }
0x6: {  	s18 =	simm.s32 $0x4100;
	s19 =	simm.s32 $0x1;
	s24 =	simm.s32 $0x0  }
0x7: {  	[smem:$0x7FF] =	sst s4;
	s9 =	smul.u32 $0x14000, s2;
	s11 =	sand.u32 $0x1, s5  }
0x8: {  	s5 =	sadd.s32 $0x15200, s8;
	s6 =	sadd.s32 $0xB400, s8;
	s7 =	sadd.s32 $0x1600, s8  }
0x9: {  	s13 =	smul.u32 $0x50000, s2;
	s30 =	sshll.u32 s2, $0x6;
	p0 =	slt.u32 s2, $0x2  }
0xa: {  	s31 =	sshll.u32 s2, $0x8;
	_ =	strace $0x80000047;
	s10 =	smul.u32 $0x140000, s11  }
0xb: {  	s28 =	ssub.s32 $0x2, s11;
	s11 =	sshll.u32 s11, $0x7;
	s12 =	sshrl.u32 s9, $0x3  }
0xc: {  	s14 =	sshrl.u32 s28, $0x1;
	s29 =	sshrl.u32 s13, $0x2;
	s11 =	sor.u32 s11, s31  }
0xd: {  	s9 =	sadd.s32 s9, s10;
	s12 =	sadd.s32 s12, s8;
	s14 =	ssub.s32 s28, s14  }
0xe: {  	s16 =	sadd.s32 s29, s3;
	s10 =	simm.s32 $0x4F;
	s9 =	sshrl.u32 s9, $0x3  }
0xf: {  	s10 =	simm.s32 @!p0 $0x4E;
	s13 =	smax.u32 s14, $0x1;
	s14 =	sshrl.u32 s16, $0x3  }
0x10: {  	s16 =	simm.s32 $0x80;
	s15 =	sadd.s32 s9, s8;
	s8 =	sadd.s32 $0x4F7200, s12  }
0x11: {  	s9 =	sor.u32 $0x1C02, s30;
	s12 =	sadd.s32 $0x51F200, s15;
	s15 =	simm.s32 $0x2  }
.LBB2_1:
0x12: {  	[spmem:s14], [sflag:s9] =	dma.local [hbm:s8], $0x2800  }
0x13: {  	_ =	swait.ge [sflag:s15], $0x2800  }
0x14: {  	[sflag:s15] =	ssyncset.done $0x0  }
0x15: {  	[sflag:s15] =	ssyncadd.s32 $0xFFFFD800  }
0x16: {  	s20 =	simm.s32 $0x0;
	[bflag:$0x0] =	sbarrier.arrive $0xFFFF  }
.LBB2_2:
0x17: {  	s21 =	sshll.u32 s20, $0xC  }
0x18: {  	s21 =	sor.u32 s11, s21  }
0x19: {  	s22 =	sshrl.u32 s21, $0x3  }
0x1a: {  	s23 =	sadd.s32 s6, s22  }
0x1b: {  	[tilespmem:s24], [sflag:$0x2] =	stream.linear.gather [hbm4b:s23+s24], $0x80, $0x38;
	[tilespmem:$0x1C100] =	vst v63  }
0x1c: {  	_ =	swait.ge [sflag:s15], $0x80  }
0x1d: {  	[sflag:s15] =	ssyncset.done $0x0  }
0x1e: {  	s22 =	sadd.s32 s7, s22;
	[sflag:s15] =	ssyncadd.s32 $0xFFFFFF80  }
0x1f: {  	[tilespmem:s16], [sflag:$0x2] =	stream.linear.gather [hbm4b:s22+s24], $0x80, $0x38;
	[tilespmem:$0x1C100] =	vst v63  }
0x20: {  	_ =	swait.ge [sflag:s15], $0x80  }
0x21: {  	[sflag:s15] =	ssyncset.done $0x0  }
0x22: {  	s21 =	sshll.u32 s21, $0x4;
	[sflag:s15] =	ssyncadd.s32 $0xFFFFFF80  }
0x23: {  	[tilespmem:s17], [sflag:$0x1] =	stream.indirect.gather [hbm4b:s1+s16], $0x80, s24, s16, $0xb8;
	[tilespmem:$0x1C100] =	vst v63  }
0x24: {  	s21 =	sadd.s32 s5, s21  }
0x25: {  	[tilespmem:s18], [sflag:$0x2] =	stream.linear.gather [hbm4b:s21+s24], $0x4000, $0x38;
	[tilespmem:$0x1C100] =	vst v63  }
0x26: {  	_ =	swait.ge [sflag:s15], $0x4000  }
0x27: {  	[sflag:s15] =	ssyncset.done $0x0  }
0x28: {  	[sflag:s15] =	ssyncadd.s32 $0xFFFFC000  }
0x29: {  	_ =	swait.ge [sflag:s19], $0x4000  }
0x2a: {  	[sflag:s19] =	ssyncset.done $0x0  }
0x2b: {  	s21 =	simm.s32 $0x0;
	[sflag:s19] =	ssyncadd.s32 $0xFFFFC000  }
0x2c: {  	v7 =	vld [tilespmem:s21+$0x4100]  }
0x2d: {  	v11 =	vld [tilespmem:s21+$0x4110]  }
0x2e: {  	v5 =	vld [tilespmem:s21+$0x4120]  }
0x2f: {  	v4 =	vld [tilespmem:s21+$0x4130]  }
0x30: {  	v3 =	vld [tilespmem:s21+$0x4140]  }
0x31: {  	v2 =	vld [tilespmem:s21+$0x4150]  }
0x32: {  	v1 =	vld [tilespmem:s21+$0x4160]  }
0x33: {  	v0 =	vld [tilespmem:s21+$0x4170]  }
0x34: {  	v12 =	vld [tilespmem:s21+$0x100]  }
0x35: {  	v13 =	vld [tilespmem:s21+$0x110]  }
0x36: {  	v10 =	vld [tilespmem:s21+$0x120]  }
0x37: {  	v9 =	vld [tilespmem:s21+$0x130]  }
0x38: {  	v8 =	vld [tilespmem:s21+$0x140]  }
0x39: {  	v6 =	vld [tilespmem:s21+$0x150];
	v12 =	vmul.f32 v7, v12  }
0x3a: {  	s22 =	simm.s32 $0x200;
	v11 =	vmul.f32 v11, v13;
	v7 =	vld [tilespmem:s21+$0x160]  }
.LBB2_3:
0x3b: {  	s23 =	sshra.s32 s22, $0x2;
	p0 =	sne.s32 s22, $0xFE00;
	[tilespmem:s21+$0x100] =	vst v12;
	v5 =	vmul.f32 v5, v10;
	v10 =	vld [tilespmem:s21+$0x170]  }
0x3c: {  	v12 =	vld [tilespmem:s23+$0x4100];
	[tilespmem:s21+$0x110] =	vst v11;
	v4 =	vmul.f32 v4, v9  }
0x3d: {  	v11 =	vld [tilespmem:s23+$0x4110];
	[tilespmem:s21+$0x120] =	vst v5;
	v3 =	vmul.f32 v3, v8  }
0x3e: {  	v5 =	vld [tilespmem:s23+$0x4120];
	[tilespmem:s21+$0x130] =	vst v4;
	v2 =	vmul.f32 v2, v6  }
0x3f: {  	v4 =	vld [tilespmem:s23+$0x4130];
	[tilespmem:s21+$0x140] =	vst v3;
	v1 =	vmul.f32 v1, v7  }
0x40: {  	v3 =	vld [tilespmem:s23+$0x4140];
	[tilespmem:s21+$0x150] =	vst v2;
	v0 =	vmul.f32 v0, v10  }
0x41: {  	v2 =	vld [tilespmem:s23+$0x4150];
	[tilespmem:s21+$0x160] =	vst v1  }
0x42: {  	v1 =	vld [tilespmem:s23+$0x4160];
	[tilespmem:s21+$0x170] =	vst v0;
	s21 =	smov.u32 s23  }
0x43: {  	v0 =	vld [tilespmem:s21+$0x4170]  }
0x44: {  	v6 =	vld [tilespmem:s21+$0x100]  }
0x45: {  	v7 =	vld [tilespmem:s21+$0x110]  }
.Ltmp0:
0x46: {  	v10 =	vld [tilespmem:s21+$0x120];
	(pc) =	sbr.rel @p0 .LBB2_3-.Ltmp0, $4  }
0x47: {  	v9 =	vld [tilespmem:s21+$0x130]  }
0x48: {  	v8 =	vld [tilespmem:s21+$0x140]  }
0x49: {  	v12 =	vmul.f32 v12, v6;
	v6 =	vld [tilespmem:s21+$0x150]  }
0x4a: {  	s22 =	sadd.s32 $0x200, s22;
	v11 =	vmul.f32 v11, v7;
	v7 =	vld [tilespmem:s21+$0x160]  }
0x4b: {  	[tilespmem:s21+$0x100] =	vst v12;
	v5 =	vmul.f32 v5, v10;
	v63 =	vld [tilespmem:s21+$0x170]  }
0x4c: {  	[tilespmem:s21+$0x110] =	vst v11;
	v4 =	vmul.f32 v4, v9  }
0x4d: {  	[tilespmem:s21+$0x120] =	vst v5;
	v3 =	vmul.f32 v3, v8  }
0x4e: {  	[tilespmem:s21+$0x130] =	vst v4;
	v2 =	vmul.f32 v2, v6  }
0x4f: {  	[tilespmem:s21+$0x140] =	vst v3;
	v1 =	vmul.f32 v1, v7  }
0x50: {  	s20 =	sadd.s32 $0x1, s20;
	[tilespmem:s21+$0x150] =	vst v2;
	v0 =	vmul.f32 v0, v63  }
0x51: {  	p0 =	sne.s32 s20, s10;
	[tilespmem:s21+$0x160] =	vst v1  }
.Ltmp1:
0x52: {  	[tilespmem:s21+$0x170] =	vst v0;
	(pc) =	sbr.rel @p0 .LBB2_2-.Ltmp1, $4  }
0x53: {  	[spmem:s3] =	stream.indirect.scatter.add.f32 [tilespmem:s17], [sflag:$0x2], $0x80, s16, s16, $0xb8;
	[tilespmem:$0x1C100] =	vst v63  }
0x54: {  	_ =	swait.ge [sflag:s15], $0x4000  }
0x55: {  	[sflag:s15] =	ssyncset.done $0x0  }
0x56: {  	[sflag:s15] =	ssyncadd.s32 $0xFFFFC000  }
0x57: {  	s4 =	sadd.s32 $0x1, s4  }
0x58: {  	p0 =	sne.s32 s4, s13  }
.Ltmp2:
0x59: {  	[bflag:$0x0] =	sbarrier.arrive $0xFFFF;
	(pc) =	sbr.rel @p0 .LBB2_1-.Ltmp2, $4  }
0x5a: {  	[hbm:s12], [sflag:s9] =	dma.local [spmem:s14], $0x2800  }
0x5b: {  	_ =	swait.ge [sflag:s15], $0x2800  }
0x5c: {  	[sflag:s15] =	ssyncset.done $0x0  }
0x5d: {  	[sflag:s15] =	ssyncadd.s32 $0xFFFFD800  }
0x5e: {  	_ =	sfence.sel $0x180000  }
0x5f: {  	[bflag:$0x0] =	sbarrier.arrive $0xFFFF  }
0x60: {  	p0 =	sne.s32 s2, $0x0;
	_ =	strace $0x90000047  }
0x61: {  	s0 =	sadd.s32 @!p0 $0x100000, s0;
	[bflag:$0x2] =	sbarrier.arrive $0xFFFF  }
0x62: {  	[sflag:s0] =	ssyncadd.tile.s32 @!p0 $0x1;
	_ =	shalt  }
.Lfunc_end2:
_tile_overlayer_lowered:
.L_overlay_start_2:
0x63: {  	(tag) =	ssettag $0x2  }
0x64: {  	s0 =	rddreg [dreg:$0x0];
	s2 =	stileid.u32  }
0x65: {  	s1 =	rddreg [dreg:$0x1];
	p0 =	sne.s32 s2, $0x0  }
0x66: {  	s3 =	rddreg [dreg:$0x2];
	[bflag:$0x3] =	sbarrier.arrive $0xFFFF;
	s2 =	simm.s32 @!p0 $0x1C02  }
0x67: {  	[timem:s3], [sflag:s2] =	dma.local @!p0 [hbm:s0], s1  }
0x68: {  	s0 =	simm.s32 @!p0 $0x2  }
0x69: {  	_ =	swait.ge @!p0 [sflag:s0], s1  }
0x6a: {  	s1 =	ssub.s32 @!p0 $0x0, s1;
	[sflag:s0] =	ssyncset.done @!p0 $0x0  }
0x6b: {  	[sflag:s0] =	ssyncadd.s32 @!p0 s1  }
0x6c: {  	[bflag:$0x3] =	sbarrier.arrive $0xFFFF  }
0x6d: {  	_ =	shalt  }

</sc_bundles>
